<compile_context>
chip_gen: v7x
topology: tpu7x:2x2x1
jax: 0.10.2.dev20260603
libtpu: 0.0.44.dev20260713+nightly
codegen_flags: <defaults>
</compile_context>

<pallas_src>
import dataclasses
import functools

import jax
import jax.numpy as jnp
from jax import lax
from jax.experimental import pallas as pl
from jax.experimental.pallas import tpu as pltpu
from jax.experimental.pallas import tpu_sc as plsc

B = 4096
N = 100000
D = 64
K = 32
NCLS = 100
S = 2048
NCH = 50
NPAD = NCH * S
BQ = 256
INF = float("inf")


def _tc_select_body(x_ref, st_ref, t_ref, w_ref, idx_ref, dm_ref, m_ref,
                    fi_ref, s2_ref):
    xb = x_ref[...]
    x2 = jnp.sum(xb * xb, axis=1, keepdims=True)
    laneS = lax.broadcasted_iota(jnp.int32, (BQ, S), 1)
    lane1S = lax.broadcasted_iota(jnp.int32, (1, S), 1)
    laneK = lax.broadcasted_iota(jnp.int32, (BQ, K), 1)

    def prep_s2(c, _):
        sb = st_ref[c]
        s2 = jnp.sum(sb * sb, axis=0, keepdims=True)
        s2_ref[c] = jnp.where((c * S + lane1S) < N, s2, INF)
        return 0

    lax.fori_loop(0, NCH, prep_s2, 0)

    def chunk_e(c):
        sb = st_ref[c]
        prod = jnp.dot(xb, sb, preferred_element_type=jnp.float32)
        return s2_ref[c] - 2.0 * prod

    m_ref[...] = jnp.full((BQ, 512), INF, jnp.float32)

    def pass_a(c, _):
        e = chunk_e(c)
        m = m_ref[...]
        for g in range(S // 512):
            m = jnp.minimum(m, e[:, g * 512:(g + 1) * 512])
        m_ref[...] = m
        return 0

    lax.fori_loop(0, NCH, pass_a, 0)

    def kth(i, carry):
        mm, _ = carry
        mn = jnp.min(mm, axis=1, keepdims=True)
        mm = jnp.where(mm == mn, INF, mm)
        return mm, mn

    _, t0 = lax.fori_loop(0, K, kth, (m_ref[...], jnp.zeros((BQ, 1), jnp.float32)))

    NG = S // 256
    NP = NCH // 2
    S2 = 2 * S
    lane512 = lax.broadcasted_iota(jnp.int32, (BQ, 512), 1)
    laneS2 = lax.broadcasted_iota(jnp.int32, (BQ, S2), 1)

    def srt(x):
        u = lax.bitcast_convert_type(x, jnp.int32)
        return u ^ ((u >> 31) & jnp.int32(0x7FFFFFFF))

    IMAX = jnp.int32(0x7FFFFFFF)
    PINF_I = jnp.int32(0x7F800000)

    def unsrt(s):
        return lax.bitcast_convert_type(
            s ^ ((s >> 31) & jnp.int32(0x7FFFFFFF)), jnp.float32)

    def pass_b(p, carry):
        bd, bi = carry
        cmv = unsrt(jnp.max(bd, axis=1, keepdims=True))
        thr = jnp.minimum(t0, cmv)
        fvs = []
        cnt = jnp.zeros((BQ, 1), jnp.int32)
        for h in range(2):
            e = chunk_e(2 * p + h)
            act = e <= thr
            dm = jnp.where(act, e, INF)
            dm_ref[:, h * S:(h + 1) * S] = dm
            ds = srt(dm) & jnp.int32(~7)
            fvh = jnp.full((BQ, 256), IMAX, jnp.int32)
            for g in range(NG):
                fvh = jnp.minimum(fvh, ds[:, g * 256:(g + 1) * 256] | g)
            fvs.append(fvh)
            cnt = cnt + jnp.sum(act.astype(jnp.int32), axis=1, keepdims=True)
        fv = jnp.concatenate(fvs, axis=1)
        fi_ref[...] = fv
        m_ref[...] = lax.bitcast_convert_type(fv, jnp.float32)
        dcnt = jnp.sum((fv < PINF_I).astype(jnp.int32), axis=1, keepdims=True)
        mx2 = jnp.max(dcnt)
        mxm = jnp.max(cnt - dcnt)

        def step2(i, st):
            bd, bi = st
            for _ in range(2):
                fv = fi_ref[...]
                mn = jnp.min(fv, axis=1, keepdims=True)
                jl = jnp.min(jnp.where(fv == mn, lane512, 512), axis=1,
                             keepdims=True)
                cm = jnp.max(bd, axis=1, keepdims=True)
                acc = mn < cm
                pk = jnp.min(jnp.where(bd == cm, laneK, K), axis=1,
                             keepdims=True)
                hit = (laneK == pk) & acc
                half = (jl >= 256).astype(jnp.int32)
                gidx = 2 * p * S + half * S + (mn & 7) * 256 + (jl & 255)
                bd = jnp.where(hit, mn, bd)
                bi = jnp.where(hit, gidx, bi)
                fi_ref[...] = jnp.where(lane512 == jl, IMAX, fv)
            return bd, bi

        bd, bi = lax.fori_loop(0, (mx2 + 1) // 2, step2, (bd, bi))

        def step3(i, st):
            bd, bi = st
            for _ in range(2):
                dm = lax.bitcast_convert_type(dm_ref[...], jnp.int32)
                mn = jnp.min(dm, axis=1, keepdims=True)
                jl = jnp.min(jnp.where(dm == mn, laneS2, S2), axis=1,
                             keepdims=True)
                cm = jnp.max(bd, axis=1, keepdims=True)
                acc = mn < cm
                pk = jnp.min(jnp.where(bd == cm, laneK, K), axis=1,
                             keepdims=True)
                hit = (laneK == pk) & acc
                bd = jnp.where(hit, mn, bd)
                bi = jnp.where(hit, 2 * p * S + jl, bi)
                dm_ref[...] = lax.bitcast_convert_type(
                    jnp.where(laneS2 == jl, IMAX, dm), jnp.float32)
            return bd, bi

        def cleanup(args):
            bd, bi = args
            fi0 = lax.bitcast_convert_type(m_ref[...], jnp.int32) & 7
            parts = [fi0[:, 0:256]] * NG + [fi0[:, 256:512]] * NG
            fi_t = jnp.concatenate(parts, axis=1)
            giota = (laneS2 & (S - 1)) >> 8
            dmp = jnp.where(giota != fi_t, srt(dm_ref[...]), IMAX)
            dm_ref[...] = lax.bitcast_convert_type(dmp, jnp.float32)
            return lax.fori_loop(0, (mxm + 1) // 2, step3, (bd, bi))

        return lax.cond(mxm > 0, cleanup, lambda args: args, (bd, bi))

    bd0 = jnp.full((BQ, K), PINF_I, jnp.int32)
    bi0 = jnp.zeros((BQ, K), jnp.int32)
    bd, bi = lax.fori_loop(0, NP, pass_b, (bd0, bi0))

    bdv = unsrt(bd & jnp.int32(~7))
    d = jnp.sqrt(jnp.maximum(bdv + x2, 1e-12))
    temp = t_ref[0, 0]
    logits = -d / temp
    mx = jnp.max(logits, axis=1, keepdims=True)
    e = jnp.exp(logits - mx)
    w = e / jnp.sum(e, axis=1, keepdims=True)
    w_ref[...] = w
    idx_ref[...] = bi


def _tc_select(x, st3, temp11):
    return pl.pallas_call(
        _tc_select_body,
        grid=(B // BQ,),
        in_specs=[
            pl.BlockSpec((BQ, D), lambda i: (i, 0)),
            pl.BlockSpec((NCH, D, S), lambda i: (0, 0, 0)),
            pl.BlockSpec(memory_space=pltpu.SMEM),
        ],
        out_specs=[
            pl.BlockSpec((BQ, K), lambda i: (i, 0)),
            pl.BlockSpec((BQ, K), lambda i: (i, 0)),
        ],
        out_shape=[
            jax.ShapeDtypeStruct((B, K), jnp.float32),
            jax.ShapeDtypeStruct((B, K), jnp.int32),
        ],
        scratch_shapes=[
            pltpu.VMEM((BQ, 2 * S), jnp.float32),
            pltpu.VMEM((BQ, 512), jnp.float32),
            pltpu.VMEM((BQ, 512), jnp.int32),
            pltpu.VMEM((NCH, 1, S), jnp.float32),
        ],
        compiler_params=pltpu.CompilerParams(
            vmem_limit_bytes=100 * 1024 * 1024,
        ),
    )(x, st3, temp11)




def _sc_combine(w_flat, idx_flat, labels):
    info = plsc.get_sparse_core_info()
    nc, ns = info.num_cores, info.num_subcores
    nw = nc * ns
    rw = B // nw
    rb = 32
    nblk = rw // rb
    mesh = plsc.VectorSubcoreMesh(core_axis_name="c", subcore_axis_name="s")
    cp = pltpu.CompilerParams()
    if "needs_layout_passes" in pltpu.CompilerParams.__dataclass_fields__:
        cp = dataclasses.replace(cp, needs_layout_passes=False)

    @functools.partial(
        pl.kernel,
        mesh=mesh,
        compiler_params=cp,
        out_type=jax.ShapeDtypeStruct((B * NCLS,), jnp.float32),
        scratch_types=[
            pltpu.VMEM((N,), jnp.int32),
            pltpu.VMEM((rb * K,), jnp.int32),
            pltpu.VMEM((rb * K,), jnp.float32),
            pltpu.VMEM((rb * NCLS,), jnp.float32),
        ],
    )
    def sc_kernel(w_hbm, idx_hbm, lab_hbm, out_hbm, labv, idxv, wv, pv):
        wid = lax.axis_index("s") * nc + lax.axis_index("c")
        pltpu.sync_copy(lab_hbm, labv)
        zero16 = jnp.zeros((16,), jnp.float32)

        def do_block(blk, _):
            base = (wid * rw + blk * rb)

            pltpu.sync_copy(idx_hbm.at[pl.ds(base * K, rb * K)], idxv)
            pltpu.sync_copy(w_hbm.at[pl.ds(base * K, rb * K)], wv)

            def zero_row(i, _):
                pv[pl.ds(i * 16, 16)] = zero16
                return 0

            lax.fori_loop(0, (rb * NCLS) // 16, zero_row, 0)

            def do_row(r, _):
                for g in range(K // 16):
                    iv = idxv[pl.ds(r * K + g * 16, 16)]
                    lab = plsc.load_gather(labv, [iv])
                    wvec = wv[pl.ds(r * K + g * 16, 16)]
                    flat = lab + r * NCLS
                    plsc.addupdate_scatter(pv, [flat], wvec)
                return 0

            lax.fori_loop(0, rb, do_row, 0)
            pltpu.sync_copy(pv, out_hbm.at[pl.ds(base * NCLS, rb * NCLS)])
            return 0

        lax.fori_loop(0, nblk, do_block, 0)

    return sc_kernel(w_flat, idx_flat, labels)


def kernel(x, support_embeddings, support_labels, temperature):
    sp = jnp.pad(support_embeddings, ((0, NPAD - N), (0, 0)))
    st3 = sp.reshape(NCH, S, D).transpose(0, 2, 1)
    temp11 = jnp.reshape(temperature, (1, 1)).astype(jnp.float32)
    w, idx = _tc_select(x, st3, temp11)
    probs_flat = _sc_combine(w.reshape(-1), idx.reshape(-1), support_labels)
    return probs_flat.reshape(B, NCLS)

# --- scband reference (transcript-rebuilt; emitter-appended) ---
"""Pipeline reference for scband-soft-knnlayer-3058016714928 (READ-ONLY COPY).

The authoritative reference and input builder live on the scoring server;
editing this copy changes nothing except your own understanding.
"""

import jax, jax.numpy as jnp
import numpy as np

K_NEIGHBORS = 32
NUM_CLASSES = 100


def setup_inputs(seed: int = 0) -> dict:
    key = jax.random.key(seed)
    k1, k2, k3 = jax.random.split(key, 3)
    x = jax.random.normal(k1, (4096, 64), dtype=jnp.float32)
    support_embeddings = jax.random.normal(k2, (100000, 64), dtype=jnp.float32)
    support_labels = jax.random.randint(k3, (100000,), 0, NUM_CLASSES, dtype=jnp.int32)
    temperature = jnp.array(1.0, dtype=jnp.float32)
    return {
        "x": x,
        "support_embeddings": support_embeddings,
        "support_labels": support_labels,
        "temperature": temperature,
    }


def reference(x, support_embeddings, support_labels, temperature):
    # torch.cdist (euclidean) via the expanded quadratic form
    x2 = jnp.sum(x * x, axis=1, keepdims=True)            # [B, 1]
    s2 = jnp.sum(support_embeddings * support_embeddings, axis=1)[None, :]  # [1, K]
    d2 = x2 + s2 - 2.0 * (x @ support_embeddings.T)       # [B, K]
    d2 = jnp.maximum(d2, 1e-12)
    dists = jnp.sqrt(d2)
    # topk smallest == top_k of negated distances
    neg_knn, indices = jax.lax.top_k(-dists, K_NEIGHBORS)  # [B, k]
    knn_dists = -neg_knn
    weights = jax.nn.softmax(-knn_dists / temperature, axis=1)  # [B, k]
    neighbor_labels = support_labels[indices]               # [B, k] gather
    one_hot = jax.nn.one_hot(neighbor_labels, NUM_CLASSES, dtype=jnp.float32)  # [B, k, C]
    probs = jnp.einsum('bk,bkc->bc', weights, one_hot)
    return probs

if __name__ == "__main__":
    import jax
    _d = setup_inputs()
    print(jax.jit(kernel)(*tuple(_d.values())))

</pallas_src>

<mosaic_0001>
#map = affine_map<(d0, d1) -> (0)>
module attributes {stable_mosaic.version = 14 : i64} {
  func.func @sc_kernel(%arg0: i32, %arg1: i32, %arg2: memref<131072xf32, #tpu.memory_space<hbm>>, %arg3: memref<131072xi32, #tpu.memory_space<hbm>>, %arg4: memref<100000xi32, #tpu.memory_space<hbm>>, %arg5: memref<409600xf32, #tpu.memory_space<hbm>>, %arg6: memref<100000xi32, #tpu.memory_space<vmem>>, %arg7: memref<1024xi32, #tpu.memory_space<vmem>>, %arg8: memref<1024xf32, #tpu.memory_space<vmem>>, %arg9: memref<3200xf32, #tpu.memory_space<vmem>>) attributes {dimension_semantics = [#tpu.dimension_semantics<core_parallel>, #tpu.dimension_semantics<subcore_parallel>], iteration_bounds = array<i64: 2, 16>, scalar_prefetch = 0 : i64, scratch_operands = 4 : i64, tpu.core_type = #tpu.core_type<sc_vector_subcore>, window_params = [{transform_indices = #map}, {transform_indices = #map}, {transform_indices = #map}, {transform_indices = #map}]} {
    %mul3A = arith.constant 2 : i32
    %mul3A_0 = arith.muli %arg1, %mul3A : i32
    %add3A = arith.addi %mul3A_0, %arg0 : i32
    "tpu.region"() ({
      %run_scoped3A = tpu.sem_alloc : memref<!tpu.dma_semaphore, #tpu.memory_space<semaphore_mem>>
      tpu.enqueue_dma source(%arg4 : memref<100000xi32, #tpu.memory_space<hbm>>) target(%arg6 : memref<100000xi32, #tpu.memory_space<vmem>>) target_semaphore(%run_scoped3A : memref<!tpu.dma_semaphore, #tpu.memory_space<semaphore_mem>>)
      tpu.wait_dma2 semaphore(%run_scoped3A : memref<!tpu.dma_semaphore, #tpu.memory_space<semaphore_mem>>) src(%arg4 : memref<100000xi32, #tpu.memory_space<hbm>>) dst(%arg6 : memref<100000xi32, #tpu.memory_space<vmem>>)
      tpu.yield
    }) : () -> ()
    %broadcast_in_dim3A = arith.constant 0.000000e+00 : f32
    %broadcast_in_dim3A_1 = vector.broadcast %broadcast_in_dim3A : f32 to vector<16xf32>
    %scan3A = arith.constant 0 : i32
    %scan3A_2 = arith.constant 0 : i32
    %scan3A_3 = arith.constant 4 : i32
    %scan3A_4 = arith.addi %scan3A_2, %scan3A_3 : i32
    %scan3A_5 = arith.constant 1 : i32
    %scan3A_6 = scf.for %scan3A_8 = %scan3A_2 to %scan3A_4 step %scan3A_5 iter_args(%scan3A_9 = %scan3A) -> (i32)  : i32 {
      %mul3A_10 = arith.constant 128 : i32
      %mul3A_11 = arith.muli %add3A, %mul3A_10 : i32
      %mul3A_12 = arith.constant 32 : i32
      %mul3A_13 = arith.muli %scan3A_8, %mul3A_12 : i32
      %add3A_14 = arith.addi %mul3A_11, %mul3A_13 : i32
      %mul3A_15 = arith.constant 32 : i32
      %mul3A_16 = arith.muli %add3A_14, %mul3A_15 : i32
      "tpu.region"() ({
        %run_scoped3A = tpu.sem_alloc : memref<!tpu.dma_semaphore, #tpu.memory_space<semaphore_mem>>
        %dma_start3A = tpu.memref_slice %arg3[%mul3A_16] : memref<131072xi32, #tpu.memory_space<hbm>> -> memref<1024xi32, #tpu.memory_space<hbm>>
        %dma_start3A_36 = tpu.memref_slice %arg3[%mul3A_16] : memref<131072xi32, #tpu.memory_space<hbm>> -> memref<1024xi32, #tpu.memory_space<hbm>>
        tpu.enqueue_dma source(%dma_start3A_36 : memref<1024xi32, #tpu.memory_space<hbm>>) target(%arg7 : memref<1024xi32, #tpu.memory_space<vmem>>) target_semaphore(%run_scoped3A : memref<!tpu.dma_semaphore, #tpu.memory_space<semaphore_mem>>)
        %dma_wait3A = tpu.memref_slice %arg3[%mul3A_16] : memref<131072xi32, #tpu.memory_space<hbm>> -> memref<1024xi32, #tpu.memory_space<hbm>>
        %dma_wait3A_37 = tpu.memref_slice %arg3[%mul3A_16] : memref<131072xi32, #tpu.memory_space<hbm>> -> memref<1024xi32, #tpu.memory_space<hbm>>
        tpu.wait_dma2 semaphore(%run_scoped3A : memref<!tpu.dma_semaphore, #tpu.memory_space<semaphore_mem>>) src(%dma_wait3A_37 : memref<1024xi32, #tpu.memory_space<hbm>>) dst(%arg7 : memref<1024xi32, #tpu.memory_space<vmem>>)
        tpu.yield
      }) : () -> ()
      %mul3A_17 = arith.constant 32 : i32
      %mul3A_18 = arith.muli %add3A_14, %mul3A_17 : i32
      "tpu.region"() ({
        %run_scoped3A = tpu.sem_alloc : memref<!tpu.dma_semaphore, #tpu.memory_space<semaphore_mem>>
        %dma_start3A = tpu.memref_slice %arg2[%mul3A_18] : memref<131072xf32, #tpu.memory_space<hbm>> -> memref<1024xf32, #tpu.memory_space<hbm>>
        %dma_start3A_36 = tpu.memref_slice %arg2[%mul3A_18] : memref<131072xf32, #tpu.memory_space<hbm>> -> memref<1024xf32, #tpu.memory_space<hbm>>
        tpu.enqueue_dma source(%dma_start3A_36 : memref<1024xf32, #tpu.memory_space<hbm>>) target(%arg8 : memref<1024xf32, #tpu.memory_space<vmem>>) target_semaphore(%run_scoped3A : memref<!tpu.dma_semaphore, #tpu.memory_space<semaphore_mem>>)
        %dma_wait3A = tpu.memref_slice %arg2[%mul3A_18] : memref<131072xf32, #tpu.memory_space<hbm>> -> memref<1024xf32, #tpu.memory_space<hbm>>
        %dma_wait3A_37 = tpu.memref_slice %arg2[%mul3A_18] : memref<131072xf32, #tpu.memory_space<hbm>> -> memref<1024xf32, #tpu.memory_space<hbm>>
        tpu.wait_dma2 semaphore(%run_scoped3A : memref<!tpu.dma_semaphore, #tpu.memory_space<semaphore_mem>>) src(%dma_wait3A_37 : memref<1024xf32, #tpu.memory_space<hbm>>) dst(%arg8 : memref<1024xf32, #tpu.memory_space<vmem>>)
        tpu.yield
      }) : () -> ()
      %scan3A_19 = arith.constant 0 : i32
      %scan3A_20 = arith.constant 0 : i32
      %scan3A_21 = arith.constant 200 : i32
      %scan3A_22 = arith.addi %scan3A_20, %scan3A_21 : i32
      %scan3A_23 = arith.constant 1 : i32
      %scan3A_24 = scf.for %scan3A_36 = %scan3A_20 to %scan3A_22 step %scan3A_23 iter_args(%scan3A_37 = %scan3A_19) -> (i32)  : i32 {
        %mul3A_38 = arith.constant 16 : i32
        %mul3A_39 = arith.muli %scan3A_36, %mul3A_38 : i32
        %swap3A = arith.index_cast %mul3A_39 : i32 to index
        %swap3A_40 = tpu.vector_load %arg9[%swap3A] {strides = array<i32>} : memref<3200xf32, #tpu.memory_space<vmem>>, vector<16xf32>,
        tpu.vector_store %arg9[%swap3A], %broadcast_in_dim3A_1 {strides = array<i32>} : memref<3200xf32, #tpu.memory_space<vmem>>, vector<16xf32>,
        %scan3A_41 = arith.constant 0 : i32
        scf.yield %scan3A_41 : i32
      }
      %scan3A_25 = arith.constant 200 : i32
      %scan3A_26 = arith.constant 0 : i32
      %scan3A_27 = arith.constant 0 : i32
      %scan3A_28 = arith.constant 32 : i32
      %scan3A_29 = arith.addi %scan3A_27, %scan3A_28 : i32
      %scan3A_30 = arith.constant 1 : i32
      %scan3A_31 = scf.for %scan3A_36 = %scan3A_27 to %scan3A_29 step %scan3A_30 iter_args(%scan3A_37 = %scan3A_26) -> (i32)  : i32 {
        %mul3A_38 = arith.constant 32 : i32
        %mul3A_39 = arith.muli %scan3A_36, %mul3A_38 : i32
        %add3A_40 = arith.constant 0 : i32
        %add3A_41 = arith.addi %mul3A_39, %add3A_40 : i32
        %get3A = arith.index_cast %add3A_41 : i32 to index
        %get3A_42 = tpu.vector_load %arg7[%get3A] {strides = array<i32>} : memref<1024xi32, #tpu.memory_space<vmem>>, vector<16xi32>,
        %gather3A = tpu.vector_load_idx %arg6[%get3A_42] : memref<100000xi32, #tpu.memory_space<vmem>>[vector<16xi32>], vector<16xi32>,
        %mul3A_43 = arith.constant 32 : i32
        %mul3A_44 = arith.muli %scan3A_36, %mul3A_43 : i32
        %add3A_45 = arith.constant 0 : i32
        %add3A_46 = arith.addi %mul3A_44, %add3A_45 : i32
        %get3A_47 = arith.index_cast %add3A_46 : i32 to index
        %get3A_48 = tpu.vector_load %arg8[%get3A_47] {strides = array<i32>} : memref<1024xf32, #tpu.memory_space<vmem>>, vector<16xf32>,
        %mul3A_49 = arith.constant 100 : i32
        %mul3A_50 = arith.muli %scan3A_36, %mul3A_49 : i32
        %add3A_51 = vector.broadcast %mul3A_50 : i32 to vector<16xi32>
        %add3A_52 = arith.addi %gather3A, %add3A_51 : vector<16xi32>
        tpu.vector_store_idx %arg9[%add3A_52], %get3A_48 {add = true} : memref<3200xf32, #tpu.memory_space<vmem>>[vector<16xi32>], vector<16xf32>,
        %mul3A_53 = arith.constant 32 : i32
        %mul3A_54 = arith.muli %scan3A_36, %mul3A_53 : i32
        %add3A_55 = arith.constant 16 : i32
        %add3A_56 = arith.addi %mul3A_54, %add3A_55 : i32
        %get3A_57 = arith.index_cast %add3A_56 : i32 to index
        %get3A_58 = tpu.vector_load %arg7[%get3A_57] {strides = array<i32>} : memref<1024xi32, #tpu.memory_space<vmem>>, vector<16xi32>,
        %gather3A_59 = tpu.vector_load_idx %arg6[%get3A_58] : memref<100000xi32, #tpu.memory_space<vmem>>[vector<16xi32>], vector<16xi32>,
        %mul3A_60 = arith.constant 32 : i32
        %mul3A_61 = arith.muli %scan3A_36, %mul3A_60 : i32
        %add3A_62 = arith.constant 16 : i32
        %add3A_63 = arith.addi %mul3A_61, %add3A_62 : i32
        %get3A_64 = arith.index_cast %add3A_63 : i32 to index
        %get3A_65 = tpu.vector_load %arg8[%get3A_64] {strides = array<i32>} : memref<1024xf32, #tpu.memory_space<vmem>>, vector<16xf32>,
        %mul3A_66 = arith.constant 100 : i32
        %mul3A_67 = arith.muli %scan3A_36, %mul3A_66 : i32
        %add3A_68 = vector.broadcast %mul3A_67 : i32 to vector<16xi32>
        %add3A_69 = arith.addi %gather3A_59, %add3A_68 : vector<16xi32>
        tpu.vector_store_idx %arg9[%add3A_69], %get3A_65 {add = true} : memref<3200xf32, #tpu.memory_space<vmem>>[vector<16xi32>], vector<16xf32>,
        %scan3A_70 = arith.constant 0 : i32
        scf.yield %scan3A_70 : i32
      }
      %scan3A_32 = arith.constant 32 : i32
      %mul3A_33 = arith.constant 100 : i32
      %mul3A_34 = arith.muli %add3A_14, %mul3A_33 : i32
      "tpu.region"() ({
        %run_scoped3A = tpu.sem_alloc : memref<!tpu.dma_semaphore, #tpu.memory_space<semaphore_mem>>
        %dma_start3A = tpu.memref_slice %arg5[%mul3A_34] : memref<409600xf32, #tpu.memory_space<hbm>> -> memref<3200xf32, #tpu.memory_space<hbm>>
        %dma_start3A_36 = tpu.memref_slice %arg5[%mul3A_34] : memref<409600xf32, #tpu.memory_space<hbm>> -> memref<3200xf32, #tpu.memory_space<hbm>>
        tpu.enqueue_dma source(%arg9 : memref<3200xf32, #tpu.memory_space<vmem>>) target(%dma_start3A_36 : memref<3200xf32, #tpu.memory_space<hbm>>) target_semaphore(%run_scoped3A : memref<!tpu.dma_semaphore, #tpu.memory_space<semaphore_mem>>)
        %dma_wait3A = tpu.memref_slice %arg5[%mul3A_34] : memref<409600xf32, #tpu.memory_space<hbm>> -> memref<3200xf32, #tpu.memory_space<hbm>>
        %dma_wait3A_37 = tpu.memref_slice %arg5[%mul3A_34] : memref<409600xf32, #tpu.memory_space<hbm>> -> memref<3200xf32, #tpu.memory_space<hbm>>
        tpu.wait_dma2 semaphore(%run_scoped3A : memref<!tpu.dma_semaphore, #tpu.memory_space<semaphore_mem>>) src(%arg9 : memref<3200xf32, #tpu.memory_space<vmem>>) dst(%dma_wait3A_37 : memref<3200xf32, #tpu.memory_space<hbm>>)
        tpu.yield
      }) : () -> ()
      %scan3A_35 = arith.constant 0 : i32
      scf.yield %scan3A_35 : i32
    }
    %scan3A_7 = arith.constant 4 : i32
    return
  }
}

module attributes {stable_mosaic.version = 14 : i64} {
  func.func @_tc_select_body(%arg0: i32, %arg1: memref<256x64xf32, #tpu.memory_space<vmem>>, %arg2: memref<50x64x2048xf32, #tpu.memory_space<vmem>>, %arg3: memref<1x1xf32, #tpu.memory_space<smem>>, %arg4: memref<256x32xf32, #tpu.memory_space<vmem>>, %arg5: memref<256x32xi32, #tpu.memory_space<vmem>>, %arg6: memref<256x4096xf32, #tpu.memory_space<vmem>>, %arg7: memref<256x512xf32, #tpu.memory_space<vmem>>, %arg8: memref<256x512xi32, #tpu.memory_space<vmem>>, %arg9: memref<50x1x2048xf32, #tpu.memory_space<vmem>>) attributes {dimension_semantics = [#tpu.dimension_semantics<arbitrary>], iteration_bounds = array<i64: 16>, scalar_prefetch = 0 : i64, scratch_operands = 4 : i64, tpu.core_type = #tpu.core_type<tc>, window_params = [{transform_indices = @transform_0, window_bounds = array<i64: 256, 64>}, {pipeline_mode = #tpu.pipeline_mode<synchronous>, transform_indices = @transform_1, window_bounds = array<i64: 50, 64, 2048>}, {transform_indices = @transform_2, window_bounds = array<i64: 1, 1>}, {transform_indices = @transform_3, window_bounds = array<i64: 256, 32>}, {transform_indices = @transform_4, window_bounds = array<i64: 256, 32>}]} {
    %get3A = arith.constant 0 : index
    %get3A_0 = arith.constant 0 : index
    %get3A_1 = vector.load %arg1[%get3A, %get3A_0] : memref<256x64xf32, #tpu.memory_space<vmem>>, vector<256x64xf32>
    %mul3A = arith.mulf %get3A_1, %get3A_1 : vector<256x64xf32>
    %reduce_sum3A = arith.constant dense<0.000000e+00> : vector<256xf32>
    %reduce_sum3A_2 = vector.multi_reduction <add>, %mul3A, %reduce_sum3A [1] : vector<256x64xf32> to vector<256xf32>
    %broadcast_in_dim3A = vector.shape_cast %reduce_sum3A_2 : vector<256xf32> to vector<256x1xf32>
    %iota3A = tpu.iota {dimensions = array<i32: 1>} : vector<1x2048xi32>
    %iota3A_3 = tpu.iota {dimensions = array<i32: 1>} : vector<256x32xi32>
    %scan3A = arith.constant 0 : i32
    %scan3A_4 = arith.constant 50 : i32
    %scan3A_5 = arith.addi %scan3A, %scan3A_4 : i32
    %scan3A_6 = arith.constant 1 : i32
    scf.for %scan3A_71 = %scan3A to %scan3A_5 step %scan3A_6  : i32 {
      %get3A_72 = arith.index_cast %scan3A_71 : i32 to index
      %get3A_73 = arith.constant 0 : index
      %get3A_74 = arith.constant 0 : index
      %get3A_75 = vector.load %arg2[%get3A_72, %get3A_73, %get3A_74] : memref<50x64x2048xf32, #tpu.memory_space<vmem>>, vector<1x64x2048xf32>
      %get3A_76 = vector.shape_cast %get3A_75 : vector<1x64x2048xf32> to vector<64x2048xf32>
      %mul3A_77 = arith.mulf %get3A_76, %get3A_76 : vector<64x2048xf32>
      %reduce_sum3A_78 = arith.constant dense<0.000000e+00> : vector<2048xf32>
      %reduce_sum3A_79 = vector.multi_reduction <add>, %mul3A_77, %reduce_sum3A_78 [0] : vector<64x2048xf32> to vector<2048xf32>
      %broadcast_in_dim3A_80 = vector.shape_cast %reduce_sum3A_79 : vector<2048xf32> to vector<1x2048xf32>
      %mul3A_81 = arith.constant 2048 : i32
      %mul3A_82 = arith.muli %scan3A_71, %mul3A_81 : i32
      %add3A_83 = vector.broadcast %mul3A_82 : i32 to vector<1x2048xi32>
      %add3A_84 = arith.addi %add3A_83, %iota3A : vector<1x2048xi32>
      %lt3A = arith.constant 100000 : i32
      %lt3A_85 = vector.broadcast %lt3A : i32 to vector<1x2048xi32>
      %lt3A_86 = arith.cmpi slt, %add3A_84, %lt3A_85 : vector<1x2048xi32>
      %jit3A = arith.constant 0x7F800000 : f32
      %broadcast_in_dim3A_87 = vector.broadcast %jit3A : f32 to vector<1x2048xf32>
      %select_n3A = arith.select %lt3A_86, %broadcast_in_dim3A_80, %broadcast_in_dim3A_87 : vector<1x2048xi1>, vector<1x2048xf32>
      %swap3A_88 = arith.index_cast %scan3A_71 : i32 to index
      %swap3A_89 = arith.constant 0 : index
      %swap3A_90 = arith.constant 0 : index
      %swap3A_91 = vector.load %arg9[%swap3A_88, %swap3A_89, %swap3A_90] : memref<50x1x2048xf32, #tpu.memory_space<vmem>>, vector<1x1x2048xf32>
      %swap3A_92 = vector.shape_cast %swap3A_91 : vector<1x1x2048xf32> to vector<1x2048xf32>
      %swap3A_93 = vector.shape_cast %select_n3A : vector<1x2048xf32> to vector<1x1x2048xf32>
      tpu.vector_store %arg9[%swap3A_88, %swap3A_89, %swap3A_90], %swap3A_93 {strides = array<i32>} : memref<50x1x2048xf32, #tpu.memory_space<vmem>>, vector<1x1x2048xf32>,
    }
    %scan3A_7 = arith.constant 50 : i32
    %broadcast_in_dim3A_8 = arith.constant 0x7F800000 : f32
    %broadcast_in_dim3A_9 = vector.broadcast %broadcast_in_dim3A_8 : f32 to vector<256x512xf32>
    %swap3A = arith.constant 0 : index
    %swap3A_10 = arith.constant 0 : index
    %swap3A_11 = vector.load %arg7[%swap3A, %swap3A_10] : memref<256x512xf32, #tpu.memory_space<vmem>>, vector<256x512xf32>
    tpu.vector_store %arg7[%swap3A, %swap3A_10], %broadcast_in_dim3A_9 {strides = array<i32>} : memref<256x512xf32, #tpu.memory_space<vmem>>, vector<256x512xf32>,
    %scan3A_12 = arith.constant 0 : i32
    %scan3A_13 = arith.constant 50 : i32
    %scan3A_14 = arith.addi %scan3A_12, %scan3A_13 : i32
    %scan3A_15 = arith.constant 1 : i32
    scf.for %scan3A_71 = %scan3A_12 to %scan3A_14 step %scan3A_15  : i32 {
      %get3A_72 = arith.index_cast %scan3A_71 : i32 to index
      %get3A_73 = arith.constant 0 : index
      %get3A_74 = arith.constant 0 : index
      %get3A_75 = vector.load %arg2[%get3A_72, %get3A_73, %get3A_74] : memref<50x64x2048xf32, #tpu.memory_space<vmem>>, vector<1x64x2048xf32>
      %get3A_76 = vector.shape_cast %get3A_75 : vector<1x64x2048xf32> to vector<64x2048xf32>
      %dot_general3A = arith.constant dense<0.000000e+00> : vector<256x2048xf32>
      %dot_general3A_77 = tpu.matmul %get3A_1, %get3A_76, %dot_general3A {dimension_numbers = #tpu.dot_dimension_numbers<[1], [0], [0], [1], [0, 0, 1, 1], [], []>, transpose_lhs_hint = false} : vector<256x64xf32>, vector<64x2048xf32>, vector<256x2048xf32> -> vector<256x2048xf32>
      %get3A_78 = arith.index_cast %scan3A_71 : i32 to index
      %get3A_79 = arith.constant 0 : index
      %get3A_80 = arith.constant 0 : index
      %get3A_81 = vector.load %arg9[%get3A_78, %get3A_79, %get3A_80] : memref<50x1x2048xf32, #tpu.memory_space<vmem>>, vector<1x1x2048xf32>
      %get3A_82 = vector.shape_cast %get3A_81 : vector<1x1x2048xf32> to vector<1x2048xf32>
      %mul3A_83 = arith.constant 2.000000e+00 : f32
      %mul3A_84 = vector.broadcast %mul3A_83 : f32 to vector<256x2048xf32>
      %mul3A_85 = arith.mulf %mul3A_84, %dot_general3A_77 : vector<256x2048xf32>
      %sub3A_86 = vector.broadcast %get3A_82 : vector<1x2048xf32> to vector<256x2048xf32>
      %sub3A_87 = arith.subf %sub3A_86, %mul3A_85 : vector<256x2048xf32>
      %get3A_88 = arith.constant 0 : index
      %get3A_89 = arith.constant 0 : index
      %get3A_90 = vector.load %arg7[%get3A_88, %get3A_89] : memref<256x512xf32, #tpu.memory_space<vmem>>, vector<256x512xf32>
      %slice3A = vector.extract_strided_slice %sub3A_87 {offsets = [0, 0], sizes = [256, 512], strides = [1, 1]} : vector<256x2048xf32> to vector<256x512xf32>
      %min3A = arith.minimumf %get3A_90, %slice3A : vector<256x512xf32>
      %slice3A_91 = vector.extract_strided_slice %sub3A_87 {offsets = [0, 512], sizes = [256, 512], strides = [1, 1]} : vector<256x2048xf32> to vector<256x512xf32>
      %min3A_92 = arith.minimumf %min3A, %slice3A_91 : vector<256x512xf32>
      %slice3A_93 = vector.extract_strided_slice %sub3A_87 {offsets = [0, 1024], sizes = [256, 512], strides = [1, 1]} : vector<256x2048xf32> to vector<256x512xf32>
      %min3A_94 = arith.minimumf %min3A_92, %slice3A_93 : vector<256x512xf32>
      %slice3A_95 = vector.extract_strided_slice %sub3A_87 {offsets = [0, 1536], sizes = [256, 512], strides = [1, 1]} : vector<256x2048xf32> to vector<256x512xf32>
      %min3A_96 = arith.minimumf %min3A_94, %slice3A_95 : vector<256x512xf32>
      %swap3A_97 = arith.constant 0 : index
      %swap3A_98 = arith.constant 0 : index
      %swap3A_99 = vector.load %arg7[%swap3A_97, %swap3A_98] : memref<256x512xf32, #tpu.memory_space<vmem>>, vector<256x512xf32>
      tpu.vector_store %arg7[%swap3A_97, %swap3A_98], %min3A_96 {strides = array<i32>} : memref<256x512xf32, #tpu.memory_space<vmem>>, vector<256x512xf32>,
    }
    %scan3A_16 = arith.constant 50 : i32
    %get3A_17 = arith.constant 0 : index
    %get3A_18 = arith.constant 0 : index
    %get3A_19 = vector.load %arg7[%get3A_17, %get3A_18] : memref<256x512xf32, #tpu.memory_space<vmem>>, vector<256x512xf32>
    %broadcast_in_dim3A_20 = arith.constant 0.000000e+00 : f32
    %broadcast_in_dim3A_21 = vector.broadcast %broadcast_in_dim3A_20 : f32 to vector<256x1xf32>
    %scan3A_22 = arith.constant 0 : i32
    %scan3A_23 = arith.constant 32 : i32
    %scan3A_24 = arith.addi %scan3A_22, %scan3A_23 : i32
    %scan3A_25 = arith.constant 1 : i32
    %scan3A_26:2 = scf.for %scan3A_71 = %scan3A_22 to %scan3A_24 step %scan3A_25 iter_args(%scan3A_72 = %get3A_19, %scan3A_73 = %broadcast_in_dim3A_21) -> (vector<256x512xf32>, vector<256x1xf32>)  : i32 {
      %reduce_min3A = arith.constant dense<0x7F800000> : vector<256xf32>
      %reduce_min3A_74 = vector.multi_reduction <minimumf>, %scan3A_72, %reduce_min3A [1] : vector<256x512xf32> to vector<256xf32>
      %broadcast_in_dim3A_75 = vector.shape_cast %reduce_min3A_74 : vector<256xf32> to vector<256x1xf32>
      %eq3A = vector.broadcast %broadcast_in_dim3A_75 : vector<256x1xf32> to vector<256x512xf32>
      %eq3A_76 = arith.cmpf oeq, %scan3A_72, %eq3A : vector<256x512xf32>
      %jit3A = arith.constant 0x7F800000 : f32
      %broadcast_in_dim3A_77 = vector.broadcast %jit3A : f32 to vector<256x512xf32>
      %select_n3A = arith.select %eq3A_76, %broadcast_in_dim3A_77, %scan3A_72 : vector<256x512xi1>, vector<256x512xf32>
      scf.yield %select_n3A, %broadcast_in_dim3A_75 : vector<256x512xf32>, vector<256x1xf32>
    }
    %iota3A_27 = tpu.iota {dimensions = array<i32: 1>} : vector<256x512xi32>
    %iota3A_28 = tpu.iota {dimensions = array<i32: 1>} : vector<256x4096xi32>
    %broadcast_in_dim3A_29 = arith.constant 2139095040 : i32
    %broadcast_in_dim3A_30 = vector.broadcast %broadcast_in_dim3A_29 : i32 to vector<256x32xi32>
    %broadcast_in_dim3A_31 = arith.constant 0 : i32
    %broadcast_in_dim3A_32 = vector.broadcast %broadcast_in_dim3A_31 : i32 to vector<256x32xi32>
    %scan3A_33 = arith.constant 2147483647 : i32
    %scan3A_34 = arith.constant 2139095040 : i32
    %scan3A_35 = arith.constant 0 : i32
    %scan3A_36 = arith.constant 25 : i32
    %scan3A_37 = arith.addi %scan3A_35, %scan3A_36 : i32
    %scan3A_38 = arith.constant 1 : i32
    %scan3A_39:2 = scf.for %scan3A_71 = %scan3A_35 to %scan3A_37 step %scan3A_38 iter_args(%scan3A_72 = %broadcast_in_dim3A_30, %scan3A_73 = %broadcast_in_dim3A_32) -> (vector<256x32xi32>, vector<256x32xi32>)  : i32 {
      %reduce_max3A_74 = arith.constant dense<-2147483648> : vector<256xi32>
      %reduce_max3A_75 = vector.multi_reduction <maxsi>, %scan3A_72, %reduce_max3A_74 [1] : vector<256x32xi32> to vector<256xi32>
      %broadcast_in_dim3A_76 = vector.shape_cast %reduce_max3A_75 : vector<256xi32> to vector<256x1xi32>
      %shift_right_arithmetic3A_77 = arith.constant 31 : i32
      %shift_right_arithmetic3A_78 = vector.broadcast %shift_right_arithmetic3A_77 : i32 to vector<256x1xi32>
      %shift_right_arithmetic3A_79 = arith.shrsi %broadcast_in_dim3A_76, %shift_right_arithmetic3A_78 : vector<256x1xi32>
      %and3A_80 = arith.constant 2147483647 : i32
      %and3A_81 = vector.broadcast %and3A_80 : i32 to vector<256x1xi32>
      %and3A_82 = arith.andi %shift_right_arithmetic3A_79, %and3A_81 : vector<256x1xi32>
      %xor3A_83 = arith.xori %broadcast_in_dim3A_76, %and3A_82 : vector<256x1xi32>
      %bitcast_convert_type3A_84 = tpu.bitcast %xor3A_83 : vector<256x1xi32> -> vector<256x1xf32>
      %min3A = arith.minimumf %scan3A_26#1, %bitcast_convert_type3A_84 : vector<256x1xf32>
      %broadcast_in_dim3A_85 = arith.constant 0 : i32
      %broadcast_in_dim3A_86 = vector.broadcast %broadcast_in_dim3A_85 : i32 to vector<256x1xi32>
      %mul3A_87 = arith.constant 2 : i32
      %mul3A_88 = arith.muli %mul3A_87, %scan3A_71 : i32
      %add3A_89 = arith.constant 0 : i32
      %add3A_90 = arith.addi %mul3A_88, %add3A_89 : i32
      %get3A_91 = arith.index_cast %add3A_90 : i32 to index
      %get3A_92 = arith.constant 0 : index
      %get3A_93 = arith.constant 0 : index
      %get3A_94 = vector.load %arg2[%get3A_91, %get3A_92, %get3A_93] : memref<50x64x2048xf32, #tpu.memory_space<vmem>>, vector<1x64x2048xf32>
      %get3A_95 = vector.shape_cast %get3A_94 : vector<1x64x2048xf32> to vector<64x2048xf32>
      %dot_general3A = arith.constant dense<0.000000e+00> : vector<256x2048xf32>
      %dot_general3A_96 = tpu.matmul %get3A_1, %get3A_95, %dot_general3A {dimension_numbers = #tpu.dot_dimension_numbers<[1], [0], [0], [1], [0, 0, 1, 1], [], []>, transpose_lhs_hint = false} : vector<256x64xf32>, vector<64x2048xf32>, vector<256x2048xf32> -> vector<256x2048xf32>
      %get3A_97 = arith.index_cast %add3A_90 : i32 to index
      %get3A_98 = arith.constant 0 : index
      %get3A_99 = arith.constant 0 : index
      %get3A_100 = vector.load %arg9[%get3A_97, %get3A_98, %get3A_99] : memref<50x1x2048xf32, #tpu.memory_space<vmem>>, vector<1x1x2048xf32>
      %get3A_101 = vector.shape_cast %get3A_100 : vector<1x1x2048xf32> to vector<1x2048xf32>
      %mul3A_102 = arith.constant 2.000000e+00 : f32
      %mul3A_103 = vector.broadcast %mul3A_102 : f32 to vector<256x2048xf32>
      %mul3A_104 = arith.mulf %mul3A_103, %dot_general3A_96 : vector<256x2048xf32>
      %sub3A_105 = vector.broadcast %get3A_101 : vector<1x2048xf32> to vector<256x2048xf32>
      %sub3A_106 = arith.subf %sub3A_105, %mul3A_104 : vector<256x2048xf32>
      %le3A = vector.broadcast %min3A : vector<256x1xf32> to vector<256x2048xf32>
      %le3A_107 = arith.cmpf ole, %sub3A_106, %le3A : vector<256x2048xf32>
      %jit3A = arith.constant 0x7F800000 : f32
      %broadcast_in_dim3A_108 = vector.broadcast %jit3A : f32 to vector<256x2048xf32>
      %select_n3A = arith.select %le3A_107, %sub3A_106, %broadcast_in_dim3A_108 : vector<256x2048xi1>, vector<256x2048xf32>
      %swap3A_109 = arith.constant 0 : index
      %swap3A_110 = arith.constant 0 : index
      %swap3A_111 = vector.load %arg6[%swap3A_109, %swap3A_110] : memref<256x4096xf32, #tpu.memory_space<vmem>>, vector<256x2048xf32>
      tpu.vector_store %arg6[%swap3A_109, %swap3A_110], %select_n3A {strides = array<i32>} : memref<256x4096xf32, #tpu.memory_space<vmem>>, vector<256x2048xf32>,
      %bitcast_convert_type3A_112 = tpu.bitcast %select_n3A : vector<256x2048xf32> -> vector<256x2048xi32>
      %shift_right_arithmetic3A_113 = arith.constant 31 : i32
      %shift_right_arithmetic3A_114 = vector.broadcast %shift_right_arithmetic3A_113 : i32 to vector<256x2048xi32>
      %shift_right_arithmetic3A_115 = arith.shrsi %bitcast_convert_type3A_112, %shift_right_arithmetic3A_114 : vector<256x2048xi32>
      %and3A_116 = arith.constant 2147483647 : i32
      %and3A_117 = vector.broadcast %and3A_116 : i32 to vector<256x2048xi32>
      %and3A_118 = arith.andi %shift_right_arithmetic3A_115, %and3A_117 : vector<256x2048xi32>
      %xor3A_119 = arith.xori %bitcast_convert_type3A_112, %and3A_118 : vector<256x2048xi32>
      %and3A_120 = arith.constant -8 : i32
      %and3A_121 = vector.broadcast %and3A_120 : i32 to vector<256x2048xi32>
      %and3A_122 = arith.andi %xor3A_119, %and3A_121 : vector<256x2048xi32>
      %broadcast_in_dim3A_123 = vector.broadcast %scan3A_33 : i32 to vector<256x256xi32>
      %slice3A = vector.extract_strided_slice %and3A_122 {offsets = [0, 0], sizes = [256, 256], strides = [1, 1]} : vector<256x2048xi32> to vector<256x256xi32>
      %or3A = arith.constant 0 : i32
      %or3A_124 = vector.broadcast %or3A : i32 to vector<256x256xi32>
      %or3A_125 = arith.ori %slice3A, %or3A_124 : vector<256x256xi32>
      %min3A_126 = arith.minsi %broadcast_in_dim3A_123, %or3A_125 : vector<256x256xi32>
      %slice3A_127 = vector.extract_strided_slice %and3A_122 {offsets = [0, 256], sizes = [256, 256], strides = [1, 1]} : vector<256x2048xi32> to vector<256x256xi32>
      %or3A_128 = arith.constant 1 : i32
      %or3A_129 = vector.broadcast %or3A_128 : i32 to vector<256x256xi32>
      %or3A_130 = arith.ori %slice3A_127, %or3A_129 : vector<256x256xi32>
      %min3A_131 = arith.minsi %min3A_126, %or3A_130 : vector<256x256xi32>
      %slice3A_132 = vector.extract_strided_slice %and3A_122 {offsets = [0, 512], sizes = [256, 256], strides = [1, 1]} : vector<256x2048xi32> to vector<256x256xi32>
      %or3A_133 = arith.constant 2 : i32
      %or3A_134 = vector.broadcast %or3A_133 : i32 to vector<256x256xi32>
      %or3A_135 = arith.ori %slice3A_132, %or3A_134 : vector<256x256xi32>
      %min3A_136 = arith.minsi %min3A_131, %or3A_135 : vector<256x256xi32>
      %slice3A_137 = vector.extract_strided_slice %and3A_122 {offsets = [0, 768], sizes = [256, 256], strides = [1, 1]} : vector<256x2048xi32> to vector<256x256xi32>
      %or3A_138 = arith.constant 3 : i32
      %or3A_139 = vector.broadcast %or3A_138 : i32 to vector<256x256xi32>
      %or3A_140 = arith.ori %slice3A_137, %or3A_139 : vector<256x256xi32>
      %min3A_141 = arith.minsi %min3A_136, %or3A_140 : vector<256x256xi32>
      %slice3A_142 = vector.extract_strided_slice %and3A_122 {offsets = [0, 1024], sizes = [256, 256], strides = [1, 1]} : vector<256x2048xi32> to vector<256x256xi32>
      %or3A_143 = arith.constant 4 : i32
      %or3A_144 = vector.broadcast %or3A_143 : i32 to vector<256x256xi32>
      %or3A_145 = arith.ori %slice3A_142, %or3A_144 : vector<256x256xi32>
      %min3A_146 = arith.minsi %min3A_141, %or3A_145 : vector<256x256xi32>
      %slice3A_147 = vector.extract_strided_slice %and3A_122 {offsets = [0, 1280], sizes = [256, 256], strides = [1, 1]} : vector<256x2048xi32> to vector<256x256xi32>
      %or3A_148 = arith.constant 5 : i32
      %or3A_149 = vector.broadcast %or3A_148 : i32 to vector<256x256xi32>
      %or3A_150 = arith.ori %slice3A_147, %or3A_149 : vector<256x256xi32>
      %min3A_151 = arith.minsi %min3A_146, %or3A_150 : vector<256x256xi32>
      %slice3A_152 = vector.extract_strided_slice %and3A_122 {offsets = [0, 1536], sizes = [256, 256], strides = [1, 1]} : vector<256x2048xi32> to vector<256x256xi32>
      %or3A_153 = arith.constant 6 : i32
      %or3A_154 = vector.broadcast %or3A_153 : i32 to vector<256x256xi32>
      %or3A_155 = arith.ori %slice3A_152, %or3A_154 : vector<256x256xi32>
      %min3A_156 = arith.minsi %min3A_151, %or3A_155 : vector<256x256xi32>
      %slice3A_157 = vector.extract_strided_slice %and3A_122 {offsets = [0, 1792], sizes = [256, 256], strides = [1, 1]} : vector<256x2048xi32> to vector<256x256xi32>
      %or3A_158 = arith.constant 7 : i32
      %or3A_159 = vector.broadcast %or3A_158 : i32 to vector<256x256xi32>
      %or3A_160 = arith.ori %slice3A_157, %or3A_159 : vector<256x256xi32>
      %min3A_161 = arith.minsi %min3A_156, %or3A_160 : vector<256x256xi32>
      %convert_element_type3A = arith.extui %le3A_107 : vector<256x2048xi1> to vector<256x2048xi32>
      %reduce_sum3A_162 = arith.constant dense<0> : vector<256xi32>
      %reduce_sum3A_163 = vector.multi_reduction <add>, %convert_element_type3A, %reduce_sum3A_162 [1] : vector<256x2048xi32> to vector<256xi32>
      %broadcast_in_dim3A_164 = vector.shape_cast %reduce_sum3A_163 : vector<256xi32> to vector<256x1xi32>
      %add3A_165 = arith.addi %broadcast_in_dim3A_86, %broadcast_in_dim3A_164 : vector<256x1xi32>
      %mul3A_166 = arith.constant 2 : i32
      %mul3A_167 = arith.muli %mul3A_166, %scan3A_71 : i32
      %add3A_168 = arith.constant 1 : i32
      %add3A_169 = arith.addi %mul3A_167, %add3A_168 : i32
      %get3A_170 = arith.index_cast %add3A_169 : i32 to index
      %get3A_171 = arith.constant 0 : index
      %get3A_172 = arith.constant 0 : index
      %get3A_173 = vector.load %arg2[%get3A_170, %get3A_171, %get3A_172] : memref<50x64x2048xf32, #tpu.memory_space<vmem>>, vector<1x64x2048xf32>
      %get3A_174 = vector.shape_cast %get3A_173 : vector<1x64x2048xf32> to vector<64x2048xf32>
      %dot_general3A_175 = arith.constant dense<0.000000e+00> : vector<256x2048xf32>
      %dot_general3A_176 = tpu.matmul %get3A_1, %get3A_174, %dot_general3A_175 {dimension_numbers = #tpu.dot_dimension_numbers<[1], [0], [0], [1], [0, 0, 1, 1], [], []>, transpose_lhs_hint = false} : vector<256x64xf32>, vector<64x2048xf32>, vector<256x2048xf32> -> vector<256x2048xf32>
      %get3A_177 = arith.index_cast %add3A_169 : i32 to index
      %get3A_178 = arith.constant 0 : index
      %get3A_179 = arith.constant 0 : index
      %get3A_180 = vector.load %arg9[%get3A_177, %get3A_178, %get3A_179] : memref<50x1x2048xf32, #tpu.memory_space<vmem>>, vector<1x1x2048xf32>
      %get3A_181 = vector.shape_cast %get3A_180 : vector<1x1x2048xf32> to vector<1x2048xf32>
      %mul3A_182 = arith.constant 2.000000e+00 : f32
      %mul3A_183 = vector.broadcast %mul3A_182 : f32 to vector<256x2048xf32>
      %mul3A_184 = arith.mulf %mul3A_183, %dot_general3A_176 : vector<256x2048xf32>
      %sub3A_185 = vector.broadcast %get3A_181 : vector<1x2048xf32> to vector<256x2048xf32>
      %sub3A_186 = arith.subf %sub3A_185, %mul3A_184 : vector<256x2048xf32>
      %le3A_187 = vector.broadcast %min3A : vector<256x1xf32> to vector<256x2048xf32>
      %le3A_188 = arith.cmpf ole, %sub3A_186, %le3A_187 : vector<256x2048xf32>
      %jit3A_189 = arith.constant 0x7F800000 : f32
      %broadcast_in_dim3A_190 = vector.broadcast %jit3A_189 : f32 to vector<256x2048xf32>
      %select_n3A_191 = arith.select %le3A_188, %sub3A_186, %broadcast_in_dim3A_190 : vector<256x2048xi1>, vector<256x2048xf32>
      %swap3A_192 = arith.constant 0 : index
      %swap3A_193 = arith.constant 2048 : index
      %swap3A_194 = vector.load %arg6[%swap3A_192, %swap3A_193] : memref<256x4096xf32, #tpu.memory_space<vmem>>, vector<256x2048xf32>
      tpu.vector_store %arg6[%swap3A_192, %swap3A_193], %select_n3A_191 {strides = array<i32>} : memref<256x4096xf32, #tpu.memory_space<vmem>>, vector<256x2048xf32>,
      %bitcast_convert_type3A_195 = tpu.bitcast %select_n3A_191 : vector<256x2048xf32> -> vector<256x2048xi32>
      %shift_right_arithmetic3A_196 = arith.constant 31 : i32
      %shift_right_arithmetic3A_197 = vector.broadcast %shift_right_arithmetic3A_196 : i32 to vector<256x2048xi32>
      %shift_right_arithmetic3A_198 = arith.shrsi %bitcast_convert_type3A_195, %shift_right_arithmetic3A_197 : vector<256x2048xi32>
      %and3A_199 = arith.constant 2147483647 : i32
      %and3A_200 = vector.broadcast %and3A_199 : i32 to vector<256x2048xi32>
      %and3A_201 = arith.andi %shift_right_arithmetic3A_198, %and3A_200 : vector<256x2048xi32>
      %xor3A_202 = arith.xori %bitcast_convert_type3A_195, %and3A_201 : vector<256x2048xi32>
      %and3A_203 = arith.constant -8 : i32
      %and3A_204 = vector.broadcast %and3A_203 : i32 to vector<256x2048xi32>
      %and3A_205 = arith.andi %xor3A_202, %and3A_204 : vector<256x2048xi32>
      %broadcast_in_dim3A_206 = vector.broadcast %scan3A_33 : i32 to vector<256x256xi32>
      %slice3A_207 = vector.extract_strided_slice %and3A_205 {offsets = [0, 0], sizes = [256, 256], strides = [1, 1]} : vector<256x2048xi32> to vector<256x256xi32>
      %or3A_208 = arith.constant 0 : i32
      %or3A_209 = vector.broadcast %or3A_208 : i32 to vector<256x256xi32>
      %or3A_210 = arith.ori %slice3A_207, %or3A_209 : vector<256x256xi32>
      %min3A_211 = arith.minsi %broadcast_in_dim3A_206, %or3A_210 : vector<256x256xi32>
      %slice3A_212 = vector.extract_strided_slice %and3A_205 {offsets = [0, 256], sizes = [256, 256], strides = [1, 1]} : vector<256x2048xi32> to vector<256x256xi32>
      %or3A_213 = arith.constant 1 : i32
      %or3A_214 = vector.broadcast %or3A_213 : i32 to vector<256x256xi32>
      %or3A_215 = arith.ori %slice3A_212, %or3A_214 : vector<256x256xi32>
      %min3A_216 = arith.minsi %min3A_211, %or3A_215 : vector<256x256xi32>
      %slice3A_217 = vector.extract_strided_slice %and3A_205 {offsets = [0, 512], sizes = [256, 256], strides = [1, 1]} : vector<256x2048xi32> to vector<256x256xi32>
      %or3A_218 = arith.constant 2 : i32
      %or3A_219 = vector.broadcast %or3A_218 : i32 to vector<256x256xi32>
      %or3A_220 = arith.ori %slice3A_217, %or3A_219 : vector<256x256xi32>
      %min3A_221 = arith.minsi %min3A_216, %or3A_220 : vector<256x256xi32>
      %slice3A_222 = vector.extract_strided_slice %and3A_205 {offsets = [0, 768], sizes = [256, 256], strides = [1, 1]} : vector<256x2048xi32> to vector<256x256xi32>
      %or3A_223 = arith.constant 3 : i32
      %or3A_224 = vector.broadcast %or3A_223 : i32 to vector<256x256xi32>
      %or3A_225 = arith.ori %slice3A_222, %or3A_224 : vector<256x256xi32>
      %min3A_226 = arith.minsi %min3A_221, %or3A_225 : vector<256x256xi32>
      %slice3A_227 = vector.extract_strided_slice %and3A_205 {offsets = [0, 1024], sizes = [256, 256], strides = [1, 1]} : vector<256x2048xi32> to vector<256x256xi32>
      %or3A_228 = arith.constant 4 : i32
      %or3A_229 = vector.broadcast %or3A_228 : i32 to vector<256x256xi32>
      %or3A_230 = arith.ori %slice3A_227, %or3A_229 : vector<256x256xi32>
      %min3A_231 = arith.minsi %min3A_226, %or3A_230 : vector<256x256xi32>
      %slice3A_232 = vector.extract_strided_slice %and3A_205 {offsets = [0, 1280], sizes = [256, 256], strides = [1, 1]} : vector<256x2048xi32> to vector<256x256xi32>
      %or3A_233 = arith.constant 5 : i32
      %or3A_234 = vector.broadcast %or3A_233 : i32 to vector<256x256xi32>
      %or3A_235 = arith.ori %slice3A_232, %or3A_234 : vector<256x256xi32>
      %min3A_236 = arith.minsi %min3A_231, %or3A_235 : vector<256x256xi32>
      %slice3A_237 = vector.extract_strided_slice %and3A_205 {offsets = [0, 1536], sizes = [256, 256], strides = [1, 1]} : vector<256x2048xi32> to vector<256x256xi32>
      %or3A_238 = arith.constant 6 : i32
      %or3A_239 = vector.broadcast %or3A_238 : i32 to vector<256x256xi32>
      %or3A_240 = arith.ori %slice3A_237, %or3A_239 : vector<256x256xi32>
      %min3A_241 = arith.minsi %min3A_236, %or3A_240 : vector<256x256xi32>
      %slice3A_242 = vector.extract_strided_slice %and3A_205 {offsets = [0, 1792], sizes = [256, 256], strides = [1, 1]} : vector<256x2048xi32> to vector<256x256xi32>
      %or3A_243 = arith.constant 7 : i32
      %or3A_244 = vector.broadcast %or3A_243 : i32 to vector<256x256xi32>
      %or3A_245 = arith.ori %slice3A_242, %or3A_244 : vector<256x256xi32>
      %min3A_246 = arith.minsi %min3A_241, %or3A_245 : vector<256x256xi32>
      %convert_element_type3A_247 = arith.extui %le3A_188 : vector<256x2048xi1> to vector<256x2048xi32>
      %reduce_sum3A_248 = arith.constant dense<0> : vector<256xi32>
      %reduce_sum3A_249 = vector.multi_reduction <add>, %convert_element_type3A_247, %reduce_sum3A_248 [1] : vector<256x2048xi32> to vector<256xi32>
      %broadcast_in_dim3A_250 = vector.shape_cast %reduce_sum3A_249 : vector<256xi32> to vector<256x1xi32>
      %add3A_251 = arith.addi %add3A_165, %broadcast_in_dim3A_250 : vector<256x1xi32>
      %concatenate3A = tpu.concatenate %min3A_161, %min3A_246 in 1 : vector<256x256xi32>, vector<256x256xi32> -> vector<256x512xi32>
      %swap3A_252 = arith.constant 0 : index
      %swap3A_253 = arith.constant 0 : index
      %swap3A_254 = vector.load %arg8[%swap3A_252, %swap3A_253] : memref<256x512xi32, #tpu.memory_space<vmem>>, vector<256x512xi32>
      tpu.vector_store %arg8[%swap3A_252, %swap3A_253], %concatenate3A {strides = array<i32>} : memref<256x512xi32, #tpu.memory_space<vmem>>, vector<256x512xi32>,
      %bitcast_convert_type3A_255 = tpu.bitcast %concatenate3A : vector<256x512xi32> -> vector<256x512xf32>
      %swap3A_256 = arith.constant 0 : index
      %swap3A_257 = arith.constant 0 : index
      %swap3A_258 = vector.load %arg7[%swap3A_256, %swap3A_257] : memref<256x512xf32, #tpu.memory_space<vmem>>, vector<256x512xf32>
      tpu.vector_store %arg7[%swap3A_256, %swap3A_257], %bitcast_convert_type3A_255 {strides = array<i32>} : memref<256x512xf32, #tpu.memory_space<vmem>>, vector<256x512xf32>,
      %lt3A = vector.broadcast %scan3A_34 : i32 to vector<256x512xi32>
      %lt3A_259 = arith.cmpi slt, %concatenate3A, %lt3A : vector<256x512xi32>
      %convert_element_type3A_260 = arith.extui %lt3A_259 : vector<256x512xi1> to vector<256x512xi32>
      %reduce_sum3A_261 = arith.constant dense<0> : vector<256xi32>
      %reduce_sum3A_262 = vector.multi_reduction <add>, %convert_element_type3A_260, %reduce_sum3A_261 [1] : vector<256x512xi32> to vector<256xi32>
      %broadcast_in_dim3A_263 = vector.shape_cast %reduce_sum3A_262 : vector<256xi32> to vector<256x1xi32>
      %reduce_max3A_264 = vector.shape_cast %broadcast_in_dim3A_263 : vector<256x1xi32> to vector<1x256x1xi32>
      %reduce_max3A_265 = arith.constant dense<-2147483648> : vector<1xi32>
      %reduce_max3A_266 = vector.multi_reduction <maxsi>, %reduce_max3A_264, %reduce_max3A_265 [1, 2] : vector<1x256x1xi32> to vector<1xi32>
      %reduce_max3A_267 = vector.shape_cast %reduce_max3A_266 : vector<1xi32> to vector<1x1x1xi32>
      %reduce_max3A_268 = vector.extract %reduce_max3A_267[0, 0, 0] : i32 from vector<1x1x1xi32>
      %sub3A_269 = arith.subi %add3A_251, %broadcast_in_dim3A_263 : vector<256x1xi32>
      %reduce_max3A_270 = vector.shape_cast %sub3A_269 : vector<256x1xi32> to vector<1x256x1xi32>
      %reduce_max3A_271 = arith.constant dense<-2147483648> : vector<1xi32>
      %reduce_max3A_272 = vector.multi_reduction <maxsi>, %reduce_max3A_270, %reduce_max3A_271 [1, 2] : vector<1x256x1xi32> to vector<1xi32>
      %reduce_max3A_273 = vector.shape_cast %reduce_max3A_272 : vector<1xi32> to vector<1x1x1xi32>
      %reduce_max3A_274 = vector.extract %reduce_max3A_273[0, 0, 0] : i32 from vector<1x1x1xi32>
      %add3A_275 = arith.constant 1 : i32
      %add3A_276 = arith.addi %reduce_max3A_268, %add3A_275 : i32
      %jit3A_277 = arith.constant 2 : i32
      %div3A_278 = arith.divsi %add3A_276, %jit3A_277 : i32
      %sign3A = arith.constant 0 : i32
      %sign3A_279 = arith.cmpi sgt, %add3A_276, %sign3A : i32
      %sign3A_280 = arith.extui %sign3A_279 : i1 to i32
      %sign3A_281 = arith.constant 0 : i32
      %sign3A_282 = arith.cmpi slt, %add3A_276, %sign3A_281 : i32
      %sign3A_283 = arith.extui %sign3A_282 : i1 to i32
      %sign3A_284 = arith.subi %sign3A_280, %sign3A_283 : i32
      %sign3A_285 = arith.constant 0 : i32
      %sign3A_286 = arith.cmpi sgt, %jit3A_277, %sign3A_285 : i32
      %sign3A_287 = arith.extui %sign3A_286 : i1 to i32
      %sign3A_288 = arith.constant 0 : i32
      %sign3A_289 = arith.cmpi slt, %jit3A_277, %sign3A_288 : i32
      %sign3A_290 = arith.extui %sign3A_289 : i1 to i32
      %sign3A_291 = arith.subi %sign3A_287, %sign3A_290 : i32
      %ne3A = arith.cmpi ne, %sign3A_284, %sign3A_291 : i32
      %rem3A = arith.remsi %add3A_276, %jit3A_277 : i32
      %ne3A_292 = arith.constant 0 : i32
      %ne3A_293 = arith.cmpi ne, %rem3A, %ne3A_292 : i32
      %and3A_294 = arith.andi %ne3A, %ne3A_293 : i1
      %sub3A_295 = arith.constant 1 : i32
      %sub3A_296 = arith.subi %div3A_278, %sub3A_295 : i32
      %select_n3A_297 = arith.select %and3A_294, %sub3A_296, %div3A_278 : i32
      %while3A = arith.constant 0 : i32
      %while3A_298 = arith.subi %select_n3A_297, %while3A : i32
      %while3A_299 = arith.addi %while3A, %while3A_298 : i32
      %while3A_300 = arith.constant 1 : i32
      %while3A_301 = arith.divsi %while3A_298, %while3A_300 : i32
      %while3A_302 = arith.muli %while3A_301, %while3A_300 : i32
      %while3A_303 = arith.addi %while3A, %while3A_302 : i32
      %while3A_304 = arith.constant 1 : i32
      %while3A_305:2 = scf.for %while3A_312 = %while3A to %while3A_303 step %while3A_304 iter_args(%while3A_313 = %scan3A_72, %while3A_314 = %scan3A_73) -> (vector<256x32xi32>, vector<256x32xi32>)  : i32 {
        %get3A_315 = arith.constant 0 : index
        %get3A_316 = arith.constant 0 : index
        %get3A_317 = vector.load %arg8[%get3A_315, %get3A_316] : memref<256x512xi32, #tpu.memory_space<vmem>>, vector<256x512xi32>
        %reduce_min3A = arith.constant dense<2147483647> : vector<256xi32>
        %reduce_min3A_318 = vector.multi_reduction <minsi>, %get3A_317, %reduce_min3A [1] : vector<256x512xi32> to vector<256xi32>
        %broadcast_in_dim3A_319 = vector.shape_cast %reduce_min3A_318 : vector<256xi32> to vector<256x1xi32>
        %eq3A = vector.broadcast %broadcast_in_dim3A_319 : vector<256x1xi32> to vector<256x512xi32>
        %eq3A_320 = arith.cmpi eq, %get3A_317, %eq3A : vector<256x512xi32>
        %jit3A_321 = arith.constant 512 : i32
        %broadcast_in_dim3A_322 = vector.broadcast %jit3A_321 : i32 to vector<256x512xi32>
        %select_n3A_323 = arith.select %eq3A_320, %iota3A_27, %broadcast_in_dim3A_322 : vector<256x512xi1>, vector<256x512xi32>
        %reduce_min3A_324 = arith.constant dense<2147483647> : vector<256xi32>
        %reduce_min3A_325 = vector.multi_reduction <minsi>, %select_n3A_323, %reduce_min3A_324 [1] : vector<256x512xi32> to vector<256xi32>
        %broadcast_in_dim3A_326 = vector.shape_cast %reduce_min3A_325 : vector<256xi32> to vector<256x1xi32>
        %reduce_max3A_327 = arith.constant dense<-2147483648> : vector<256xi32>
        %reduce_max3A_328 = vector.multi_reduction <maxsi>, %while3A_313, %reduce_max3A_327 [1] : vector<256x32xi32> to vector<256xi32>
        %broadcast_in_dim3A_329 = vector.shape_cast %reduce_max3A_328 : vector<256xi32> to vector<256x1xi32>
        %lt3A_330 = arith.cmpi slt, %broadcast_in_dim3A_319, %broadcast_in_dim3A_329 : vector<256x1xi32>
        %eq3A_331 = vector.broadcast %broadcast_in_dim3A_329 : vector<256x1xi32> to vector<256x32xi32>
        %eq3A_332 = arith.cmpi eq, %while3A_313, %eq3A_331 : vector<256x32xi32>
        %jit3A_333 = arith.constant 32 : i32
        %broadcast_in_dim3A_334 = vector.broadcast %jit3A_333 : i32 to vector<256x32xi32>
        %select_n3A_335 = arith.select %eq3A_332, %iota3A_3, %broadcast_in_dim3A_334 : vector<256x32xi1>, vector<256x32xi32>
        %reduce_min3A_336 = arith.constant dense<2147483647> : vector<256xi32>
        %reduce_min3A_337 = vector.multi_reduction <minsi>, %select_n3A_335, %reduce_min3A_336 [1] : vector<256x32xi32> to vector<256xi32>
        %broadcast_in_dim3A_338 = vector.shape_cast %reduce_min3A_337 : vector<256xi32> to vector<256x1xi32>
        %eq3A_339 = vector.broadcast %broadcast_in_dim3A_338 : vector<256x1xi32> to vector<256x32xi32>
        %eq3A_340 = arith.cmpi eq, %iota3A_3, %eq3A_339 : vector<256x32xi32>
        %and3A_341 = vector.broadcast %lt3A_330 : vector<256x1xi1> to vector<256x32xi1>
        %and3A_342 = arith.andi %eq3A_340, %and3A_341 : vector<256x32xi1>
        %ge3A = arith.constant 256 : i32
        %ge3A_343 = vector.broadcast %ge3A : i32 to vector<256x1xi32>
        %ge3A_344 = arith.cmpi sge, %broadcast_in_dim3A_326, %ge3A_343 : vector<256x1xi32>
        %convert_element_type3A_345 = arith.extui %ge3A_344 : vector<256x1xi1> to vector<256x1xi32>
        %mul3A_346 = arith.constant 2 : i32
        %mul3A_347 = arith.muli %mul3A_346, %scan3A_71 : i32
        %mul3A_348 = arith.constant 2048 : i32
        %mul3A_349 = arith.muli %mul3A_347, %mul3A_348 : i32
        %mul3A_350 = arith.constant 2048 : i32
        %mul3A_351 = vector.broadcast %mul3A_350 : i32 to vector<256x1xi32>
        %mul3A_352 = arith.muli %convert_element_type3A_345, %mul3A_351 : vector<256x1xi32>
        %add3A_353 = vector.broadcast %mul3A_349 : i32 to vector<256x1xi32>
        %add3A_354 = arith.addi %add3A_353, %mul3A_352 : vector<256x1xi32>
        %and3A_355 = arith.constant 7 : i32
        %and3A_356 = vector.broadcast %and3A_355 : i32 to vector<256x1xi32>
        %and3A_357 = arith.andi %broadcast_in_dim3A_319, %and3A_356 : vector<256x1xi32>
        %mul3A_358 = arith.constant 256 : i32
        %mul3A_359 = vector.broadcast %mul3A_358 : i32 to vector<256x1xi32>
        %mul3A_360 = arith.muli %and3A_357, %mul3A_359 : vector<256x1xi32>
        %add3A_361 = arith.addi %add3A_354, %mul3A_360 : vector<256x1xi32>
        %and3A_362 = arith.constant 255 : i32
        %and3A_363 = vector.broadcast %and3A_362 : i32 to vector<256x1xi32>
        %and3A_364 = arith.andi %broadcast_in_dim3A_326, %and3A_363 : vector<256x1xi32>
        %add3A_365 = arith.addi %add3A_361, %and3A_364 : vector<256x1xi32>
        %broadcast_in_dim3A_366 = vector.shape_cast %broadcast_in_dim3A_319 : vector<256x1xi32> to vector<256x1xi32>
        %broadcast_in_dim3A_367 = vector.broadcast %broadcast_in_dim3A_366 : vector<256x1xi32> to vector<256x32xi32>
        %select_n3A_368 = arith.select %and3A_342, %broadcast_in_dim3A_367, %while3A_313 : vector<256x32xi1>, vector<256x32xi32>
        %broadcast_in_dim3A_369 = vector.shape_cast %add3A_365 : vector<256x1xi32> to vector<256x1xi32>
        %broadcast_in_dim3A_370 = vector.broadcast %broadcast_in_dim3A_369 : vector<256x1xi32> to vector<256x32xi32>
        %select_n3A_371 = arith.select %and3A_342, %broadcast_in_dim3A_370, %while3A_314 : vector<256x32xi1>, vector<256x32xi32>
        %eq3A_372 = vector.broadcast %broadcast_in_dim3A_326 : vector<256x1xi32> to vector<256x512xi32>
        %eq3A_373 = arith.cmpi eq, %iota3A_27, %eq3A_372 : vector<256x512xi32>
        %broadcast_in_dim3A_374 = vector.broadcast %scan3A_33 : i32 to vector<256x512xi32>
        %select_n3A_375 = arith.select %eq3A_373, %broadcast_in_dim3A_374, %get3A_317 : vector<256x512xi1>, vector<256x512xi32>
        %swap3A_376 = arith.constant 0 : index
        %swap3A_377 = arith.constant 0 : index
        %swap3A_378 = vector.load %arg8[%swap3A_376, %swap3A_377] : memref<256x512xi32, #tpu.memory_space<vmem>>, vector<256x512xi32>
        tpu.vector_store %arg8[%swap3A_376, %swap3A_377], %select_n3A_375 {strides = array<i32>} : memref<256x512xi32, #tpu.memory_space<vmem>>, vector<256x512xi32>,
        %get3A_379 = arith.constant 0 : index
        %get3A_380 = arith.constant 0 : index
        %get3A_381 = vector.load %arg8[%get3A_379, %get3A_380] : memref<256x512xi32, #tpu.memory_space<vmem>>, vector<256x512xi32>
        %reduce_min3A_382 = arith.constant dense<2147483647> : vector<256xi32>
        %reduce_min3A_383 = vector.multi_reduction <minsi>, %get3A_381, %reduce_min3A_382 [1] : vector<256x512xi32> to vector<256xi32>
        %broadcast_in_dim3A_384 = vector.shape_cast %reduce_min3A_383 : vector<256xi32> to vector<256x1xi32>
        %eq3A_385 = vector.broadcast %broadcast_in_dim3A_384 : vector<256x1xi32> to vector<256x512xi32>
        %eq3A_386 = arith.cmpi eq, %get3A_381, %eq3A_385 : vector<256x512xi32>
        %jit3A_387 = arith.constant 512 : i32
        %broadcast_in_dim3A_388 = vector.broadcast %jit3A_387 : i32 to vector<256x512xi32>
        %select_n3A_389 = arith.select %eq3A_386, %iota3A_27, %broadcast_in_dim3A_388 : vector<256x512xi1>, vector<256x512xi32>
        %reduce_min3A_390 = arith.constant dense<2147483647> : vector<256xi32>
        %reduce_min3A_391 = vector.multi_reduction <minsi>, %select_n3A_389, %reduce_min3A_390 [1] : vector<256x512xi32> to vector<256xi32>
        %broadcast_in_dim3A_392 = vector.shape_cast %reduce_min3A_391 : vector<256xi32> to vector<256x1xi32>
        %reduce_max3A_393 = arith.constant dense<-2147483648> : vector<256xi32>
        %reduce_max3A_394 = vector.multi_reduction <maxsi>, %select_n3A_368, %reduce_max3A_393 [1] : vector<256x32xi32> to vector<256xi32>
        %broadcast_in_dim3A_395 = vector.shape_cast %reduce_max3A_394 : vector<256xi32> to vector<256x1xi32>
        %lt3A_396 = arith.cmpi slt, %broadcast_in_dim3A_384, %broadcast_in_dim3A_395 : vector<256x1xi32>
        %eq3A_397 = vector.broadcast %broadcast_in_dim3A_395 : vector<256x1xi32> to vector<256x32xi32>
        %eq3A_398 = arith.cmpi eq, %select_n3A_368, %eq3A_397 : vector<256x32xi32>
        %jit3A_399 = arith.constant 32 : i32
        %broadcast_in_dim3A_400 = vector.broadcast %jit3A_399 : i32 to vector<256x32xi32>
        %select_n3A_401 = arith.select %eq3A_398, %iota3A_3, %broadcast_in_dim3A_400 : vector<256x32xi1>, vector<256x32xi32>
        %reduce_min3A_402 = arith.constant dense<2147483647> : vector<256xi32>
        %reduce_min3A_403 = vector.multi_reduction <minsi>, %select_n3A_401, %reduce_min3A_402 [1] : vector<256x32xi32> to vector<256xi32>
        %broadcast_in_dim3A_404 = vector.shape_cast %reduce_min3A_403 : vector<256xi32> to vector<256x1xi32>
        %eq3A_405 = vector.broadcast %broadcast_in_dim3A_404 : vector<256x1xi32> to vector<256x32xi32>
        %eq3A_406 = arith.cmpi eq, %iota3A_3, %eq3A_405 : vector<256x32xi32>
        %and3A_407 = vector.broadcast %lt3A_396 : vector<256x1xi1> to vector<256x32xi1>
        %and3A_408 = arith.andi %eq3A_406, %and3A_407 : vector<256x32xi1>
        %ge3A_409 = arith.constant 256 : i32
        %ge3A_410 = vector.broadcast %ge3A_409 : i32 to vector<256x1xi32>
        %ge3A_411 = arith.cmpi sge, %broadcast_in_dim3A_392, %ge3A_410 : vector<256x1xi32>
        %convert_element_type3A_412 = arith.extui %ge3A_411 : vector<256x1xi1> to vector<256x1xi32>
        %mul3A_413 = arith.constant 2 : i32
        %mul3A_414 = arith.muli %mul3A_413, %scan3A_71 : i32
        %mul3A_415 = arith.constant 2048 : i32
        %mul3A_416 = arith.muli %mul3A_414, %mul3A_415 : i32
        %mul3A_417 = arith.constant 2048 : i32
        %mul3A_418 = vector.broadcast %mul3A_417 : i32 to vector<256x1xi32>
        %mul3A_419 = arith.muli %convert_element_type3A_412, %mul3A_418 : vector<256x1xi32>
        %add3A_420 = vector.broadcast %mul3A_416 : i32 to vector<256x1xi32>
        %add3A_421 = arith.addi %add3A_420, %mul3A_419 : vector<256x1xi32>
        %and3A_422 = arith.constant 7 : i32
        %and3A_423 = vector.broadcast %and3A_422 : i32 to vector<256x1xi32>
        %and3A_424 = arith.andi %broadcast_in_dim3A_384, %and3A_423 : vector<256x1xi32>
        %mul3A_425 = arith.constant 256 : i32
        %mul3A_426 = vector.broadcast %mul3A_425 : i32 to vector<256x1xi32>
        %mul3A_427 = arith.muli %and3A_424, %mul3A_426 : vector<256x1xi32>
        %add3A_428 = arith.addi %add3A_421, %mul3A_427 : vector<256x1xi32>
        %and3A_429 = arith.constant 255 : i32
        %and3A_430 = vector.broadcast %and3A_429 : i32 to vector<256x1xi32>
        %and3A_431 = arith.andi %broadcast_in_dim3A_392, %and3A_430 : vector<256x1xi32>
        %add3A_432 = arith.addi %add3A_428, %and3A_431 : vector<256x1xi32>
        %broadcast_in_dim3A_433 = vector.shape_cast %broadcast_in_dim3A_384 : vector<256x1xi32> to vector<256x1xi32>
        %broadcast_in_dim3A_434 = vector.broadcast %broadcast_in_dim3A_433 : vector<256x1xi32> to vector<256x32xi32>
        %select_n3A_435 = arith.select %and3A_408, %broadcast_in_dim3A_434, %select_n3A_368 : vector<256x32xi1>, vector<256x32xi32>
        %broadcast_in_dim3A_436 = vector.shape_cast %add3A_432 : vector<256x1xi32> to vector<256x1xi32>
        %broadcast_in_dim3A_437 = vector.broadcast %broadcast_in_dim3A_436 : vector<256x1xi32> to vector<256x32xi32>
        %select_n3A_438 = arith.select %and3A_408, %broadcast_in_dim3A_437, %select_n3A_371 : vector<256x32xi1>, vector<256x32xi32>
        %eq3A_439 = vector.broadcast %broadcast_in_dim3A_392 : vector<256x1xi32> to vector<256x512xi32>
        %eq3A_440 = arith.cmpi eq, %iota3A_27, %eq3A_439 : vector<256x512xi32>
        %broadcast_in_dim3A_441 = vector.broadcast %scan3A_33 : i32 to vector<256x512xi32>
        %select_n3A_442 = arith.select %eq3A_440, %broadcast_in_dim3A_441, %get3A_381 : vector<256x512xi1>, vector<256x512xi32>
        %swap3A_443 = arith.constant 0 : index
        %swap3A_444 = arith.constant 0 : index
        %swap3A_445 = vector.load %arg8[%swap3A_443, %swap3A_444] : memref<256x512xi32, #tpu.memory_space<vmem>>, vector<256x512xi32>
        tpu.vector_store %arg8[%swap3A_443, %swap3A_444], %select_n3A_442 {strides = array<i32>} : memref<256x512xi32, #tpu.memory_space<vmem>>, vector<256x512xi32>,
        scf.yield %select_n3A_435, %select_n3A_438 : vector<256x32xi32>, vector<256x32xi32>
      }
      %while3A_306 = arith.constant 1 : i32
      %while3A_307:2 = scf.for %while3A_312 = %while3A_303 to %while3A_299 step %while3A_306 iter_args(%while3A_313 = %while3A_305#0, %while3A_314 = %while3A_305#1) -> (vector<256x32xi32>, vector<256x32xi32>)  : i32 {
        %get3A_315 = arith.constant 0 : index
        %get3A_316 = arith.constant 0 : index
        %get3A_317 = vector.load %arg8[%get3A_315, %get3A_316] : memref<256x512xi32, #tpu.memory_space<vmem>>, vector<256x512xi32>
        %reduce_min3A = arith.constant dense<2147483647> : vector<256xi32>
        %reduce_min3A_318 = vector.multi_reduction <minsi>, %get3A_317, %reduce_min3A [1] : vector<256x512xi32> to vector<256xi32>
        %broadcast_in_dim3A_319 = vector.shape_cast %reduce_min3A_318 : vector<256xi32> to vector<256x1xi32>
        %eq3A = vector.broadcast %broadcast_in_dim3A_319 : vector<256x1xi32> to vector<256x512xi32>
        %eq3A_320 = arith.cmpi eq, %get3A_317, %eq3A : vector<256x512xi32>
        %jit3A_321 = arith.constant 512 : i32
        %broadcast_in_dim3A_322 = vector.broadcast %jit3A_321 : i32 to vector<256x512xi32>
        %select_n3A_323 = arith.select %eq3A_320, %iota3A_27, %broadcast_in_dim3A_322 : vector<256x512xi1>, vector<256x512xi32>
        %reduce_min3A_324 = arith.constant dense<2147483647> : vector<256xi32>
        %reduce_min3A_325 = vector.multi_reduction <minsi>, %select_n3A_323, %reduce_min3A_324 [1] : vector<256x512xi32> to vector<256xi32>
        %broadcast_in_dim3A_326 = vector.shape_cast %reduce_min3A_325 : vector<256xi32> to vector<256x1xi32>
        %reduce_max3A_327 = arith.constant dense<-2147483648> : vector<256xi32>
        %reduce_max3A_328 = vector.multi_reduction <maxsi>, %while3A_313, %reduce_max3A_327 [1] : vector<256x32xi32> to vector<256xi32>
        %broadcast_in_dim3A_329 = vector.shape_cast %reduce_max3A_328 : vector<256xi32> to vector<256x1xi32>
        %lt3A_330 = arith.cmpi slt, %broadcast_in_dim3A_319, %broadcast_in_dim3A_329 : vector<256x1xi32>
        %eq3A_331 = vector.broadcast %broadcast_in_dim3A_329 : vector<256x1xi32> to vector<256x32xi32>
        %eq3A_332 = arith.cmpi eq, %while3A_313, %eq3A_331 : vector<256x32xi32>
        %jit3A_333 = arith.constant 32 : i32
        %broadcast_in_dim3A_334 = vector.broadcast %jit3A_333 : i32 to vector<256x32xi32>
        %select_n3A_335 = arith.select %eq3A_332, %iota3A_3, %broadcast_in_dim3A_334 : vector<256x32xi1>, vector<256x32xi32>
        %reduce_min3A_336 = arith.constant dense<2147483647> : vector<256xi32>
        %reduce_min3A_337 = vector.multi_reduction <minsi>, %select_n3A_335, %reduce_min3A_336 [1] : vector<256x32xi32> to vector<256xi32>
        %broadcast_in_dim3A_338 = vector.shape_cast %reduce_min3A_337 : vector<256xi32> to vector<256x1xi32>
        %eq3A_339 = vector.broadcast %broadcast_in_dim3A_338 : vector<256x1xi32> to vector<256x32xi32>
        %eq3A_340 = arith.cmpi eq, %iota3A_3, %eq3A_339 : vector<256x32xi32>
        %and3A_341 = vector.broadcast %lt3A_330 : vector<256x1xi1> to vector<256x32xi1>
        %and3A_342 = arith.andi %eq3A_340, %and3A_341 : vector<256x32xi1>
        %ge3A = arith.constant 256 : i32
        %ge3A_343 = vector.broadcast %ge3A : i32 to vector<256x1xi32>
        %ge3A_344 = arith.cmpi sge, %broadcast_in_dim3A_326, %ge3A_343 : vector<256x1xi32>
        %convert_element_type3A_345 = arith.extui %ge3A_344 : vector<256x1xi1> to vector<256x1xi32>
        %mul3A_346 = arith.constant 2 : i32
        %mul3A_347 = arith.muli %mul3A_346, %scan3A_71 : i32
        %mul3A_348 = arith.constant 2048 : i32
        %mul3A_349 = arith.muli %mul3A_347, %mul3A_348 : i32
        %mul3A_350 = arith.constant 2048 : i32
        %mul3A_351 = vector.broadcast %mul3A_350 : i32 to vector<256x1xi32>
        %mul3A_352 = arith.muli %convert_element_type3A_345, %mul3A_351 : vector<256x1xi32>
        %add3A_353 = vector.broadcast %mul3A_349 : i32 to vector<256x1xi32>
        %add3A_354 = arith.addi %add3A_353, %mul3A_352 : vector<256x1xi32>
        %and3A_355 = arith.constant 7 : i32
        %and3A_356 = vector.broadcast %and3A_355 : i32 to vector<256x1xi32>
        %and3A_357 = arith.andi %broadcast_in_dim3A_319, %and3A_356 : vector<256x1xi32>
        %mul3A_358 = arith.constant 256 : i32
        %mul3A_359 = vector.broadcast %mul3A_358 : i32 to vector<256x1xi32>
        %mul3A_360 = arith.muli %and3A_357, %mul3A_359 : vector<256x1xi32>
        %add3A_361 = arith.addi %add3A_354, %mul3A_360 : vector<256x1xi32>
        %and3A_362 = arith.constant 255 : i32
        %and3A_363 = vector.broadcast %and3A_362 : i32 to vector<256x1xi32>
        %and3A_364 = arith.andi %broadcast_in_dim3A_326, %and3A_363 : vector<256x1xi32>
        %add3A_365 = arith.addi %add3A_361, %and3A_364 : vector<256x1xi32>
        %broadcast_in_dim3A_366 = vector.shape_cast %broadcast_in_dim3A_319 : vector<256x1xi32> to vector<256x1xi32>
        %broadcast_in_dim3A_367 = vector.broadcast %broadcast_in_dim3A_366 : vector<256x1xi32> to vector<256x32xi32>
        %select_n3A_368 = arith.select %and3A_342, %broadcast_in_dim3A_367, %while3A_313 : vector<256x32xi1>, vector<256x32xi32>
        %broadcast_in_dim3A_369 = vector.shape_cast %add3A_365 : vector<256x1xi32> to vector<256x1xi32>
        %broadcast_in_dim3A_370 = vector.broadcast %broadcast_in_dim3A_369 : vector<256x1xi32> to vector<256x32xi32>
        %select_n3A_371 = arith.select %and3A_342, %broadcast_in_dim3A_370, %while3A_314 : vector<256x32xi1>, vector<256x32xi32>
        %eq3A_372 = vector.broadcast %broadcast_in_dim3A_326 : vector<256x1xi32> to vector<256x512xi32>
        %eq3A_373 = arith.cmpi eq, %iota3A_27, %eq3A_372 : vector<256x512xi32>
        %broadcast_in_dim3A_374 = vector.broadcast %scan3A_33 : i32 to vector<256x512xi32>
        %select_n3A_375 = arith.select %eq3A_373, %broadcast_in_dim3A_374, %get3A_317 : vector<256x512xi1>, vector<256x512xi32>
        %swap3A_376 = arith.constant 0 : index
        %swap3A_377 = arith.constant 0 : index
        %swap3A_378 = vector.load %arg8[%swap3A_376, %swap3A_377] : memref<256x512xi32, #tpu.memory_space<vmem>>, vector<256x512xi32>
        tpu.vector_store %arg8[%swap3A_376, %swap3A_377], %select_n3A_375 {strides = array<i32>} : memref<256x512xi32, #tpu.memory_space<vmem>>, vector<256x512xi32>,
        %get3A_379 = arith.constant 0 : index
        %get3A_380 = arith.constant 0 : index
        %get3A_381 = vector.load %arg8[%get3A_379, %get3A_380] : memref<256x512xi32, #tpu.memory_space<vmem>>, vector<256x512xi32>
        %reduce_min3A_382 = arith.constant dense<2147483647> : vector<256xi32>
        %reduce_min3A_383 = vector.multi_reduction <minsi>, %get3A_381, %reduce_min3A_382 [1] : vector<256x512xi32> to vector<256xi32>
        %broadcast_in_dim3A_384 = vector.shape_cast %reduce_min3A_383 : vector<256xi32> to vector<256x1xi32>
        %eq3A_385 = vector.broadcast %broadcast_in_dim3A_384 : vector<256x1xi32> to vector<256x512xi32>
        %eq3A_386 = arith.cmpi eq, %get3A_381, %eq3A_385 : vector<256x512xi32>
        %jit3A_387 = arith.constant 512 : i32
        %broadcast_in_dim3A_388 = vector.broadcast %jit3A_387 : i32 to vector<256x512xi32>
        %select_n3A_389 = arith.select %eq3A_386, %iota3A_27, %broadcast_in_dim3A_388 : vector<256x512xi1>, vector<256x512xi32>
        %reduce_min3A_390 = arith.constant dense<2147483647> : vector<256xi32>
        %reduce_min3A_391 = vector.multi_reduction <minsi>, %select_n3A_389, %reduce_min3A_390 [1] : vector<256x512xi32> to vector<256xi32>
        %broadcast_in_dim3A_392 = vector.shape_cast %reduce_min3A_391 : vector<256xi32> to vector<256x1xi32>
        %reduce_max3A_393 = arith.constant dense<-2147483648> : vector<256xi32>
        %reduce_max3A_394 = vector.multi_reduction <maxsi>, %select_n3A_368, %reduce_max3A_393 [1] : vector<256x32xi32> to vector<256xi32>
        %broadcast_in_dim3A_395 = vector.shape_cast %reduce_max3A_394 : vector<256xi32> to vector<256x1xi32>
        %lt3A_396 = arith.cmpi slt, %broadcast_in_dim3A_384, %broadcast_in_dim3A_395 : vector<256x1xi32>
        %eq3A_397 = vector.broadcast %broadcast_in_dim3A_395 : vector<256x1xi32> to vector<256x32xi32>
        %eq3A_398 = arith.cmpi eq, %select_n3A_368, %eq3A_397 : vector<256x32xi32>
        %jit3A_399 = arith.constant 32 : i32
        %broadcast_in_dim3A_400 = vector.broadcast %jit3A_399 : i32 to vector<256x32xi32>
        %select_n3A_401 = arith.select %eq3A_398, %iota3A_3, %broadcast_in_dim3A_400 : vector<256x32xi1>, vector<256x32xi32>
        %reduce_min3A_402 = arith.constant dense<2147483647> : vector<256xi32>
        %reduce_min3A_403 = vector.multi_reduction <minsi>, %select_n3A_401, %reduce_min3A_402 [1] : vector<256x32xi32> to vector<256xi32>
        %broadcast_in_dim3A_404 = vector.shape_cast %reduce_min3A_403 : vector<256xi32> to vector<256x1xi32>
        %eq3A_405 = vector.broadcast %broadcast_in_dim3A_404 : vector<256x1xi32> to vector<256x32xi32>
        %eq3A_406 = arith.cmpi eq, %iota3A_3, %eq3A_405 : vector<256x32xi32>
        %and3A_407 = vector.broadcast %lt3A_396 : vector<256x1xi1> to vector<256x32xi1>
        %and3A_408 = arith.andi %eq3A_406, %and3A_407 : vector<256x32xi1>
        %ge3A_409 = arith.constant 256 : i32
        %ge3A_410 = vector.broadcast %ge3A_409 : i32 to vector<256x1xi32>
        %ge3A_411 = arith.cmpi sge, %broadcast_in_dim3A_392, %ge3A_410 : vector<256x1xi32>
        %convert_element_type3A_412 = arith.extui %ge3A_411 : vector<256x1xi1> to vector<256x1xi32>
        %mul3A_413 = arith.constant 2 : i32
        %mul3A_414 = arith.muli %mul3A_413, %scan3A_71 : i32
        %mul3A_415 = arith.constant 2048 : i32
        %mul3A_416 = arith.muli %mul3A_414, %mul3A_415 : i32
        %mul3A_417 = arith.constant 2048 : i32
        %mul3A_418 = vector.broadcast %mul3A_417 : i32 to vector<256x1xi32>
        %mul3A_419 = arith.muli %convert_element_type3A_412, %mul3A_418 : vector<256x1xi32>
        %add3A_420 = vector.broadcast %mul3A_416 : i32 to vector<256x1xi32>
        %add3A_421 = arith.addi %add3A_420, %mul3A_419 : vector<256x1xi32>
        %and3A_422 = arith.constant 7 : i32
        %and3A_423 = vector.broadcast %and3A_422 : i32 to vector<256x1xi32>
        %and3A_424 = arith.andi %broadcast_in_dim3A_384, %and3A_423 : vector<256x1xi32>
        %mul3A_425 = arith.constant 256 : i32
        %mul3A_426 = vector.broadcast %mul3A_425 : i32 to vector<256x1xi32>
        %mul3A_427 = arith.muli %and3A_424, %mul3A_426 : vector<256x1xi32>
        %add3A_428 = arith.addi %add3A_421, %mul3A_427 : vector<256x1xi32>
        %and3A_429 = arith.constant 255 : i32
        %and3A_430 = vector.broadcast %and3A_429 : i32 to vector<256x1xi32>
        %and3A_431 = arith.andi %broadcast_in_dim3A_392, %and3A_430 : vector<256x1xi32>
        %add3A_432 = arith.addi %add3A_428, %and3A_431 : vector<256x1xi32>
        %broadcast_in_dim3A_433 = vector.shape_cast %broadcast_in_dim3A_384 : vector<256x1xi32> to vector<256x1xi32>
        %broadcast_in_dim3A_434 = vector.broadcast %broadcast_in_dim3A_433 : vector<256x1xi32> to vector<256x32xi32>
        %select_n3A_435 = arith.select %and3A_408, %broadcast_in_dim3A_434, %select_n3A_368 : vector<256x32xi1>, vector<256x32xi32>
        %broadcast_in_dim3A_436 = vector.shape_cast %add3A_432 : vector<256x1xi32> to vector<256x1xi32>
        %broadcast_in_dim3A_437 = vector.broadcast %broadcast_in_dim3A_436 : vector<256x1xi32> to vector<256x32xi32>
        %select_n3A_438 = arith.select %and3A_408, %broadcast_in_dim3A_437, %select_n3A_371 : vector<256x32xi1>, vector<256x32xi32>
        %eq3A_439 = vector.broadcast %broadcast_in_dim3A_392 : vector<256x1xi32> to vector<256x512xi32>
        %eq3A_440 = arith.cmpi eq, %iota3A_27, %eq3A_439 : vector<256x512xi32>
        %broadcast_in_dim3A_441 = vector.broadcast %scan3A_33 : i32 to vector<256x512xi32>
        %select_n3A_442 = arith.select %eq3A_440, %broadcast_in_dim3A_441, %get3A_381 : vector<256x512xi1>, vector<256x512xi32>
        %swap3A_443 = arith.constant 0 : index
        %swap3A_444 = arith.constant 0 : index
        %swap3A_445 = vector.load %arg8[%swap3A_443, %swap3A_444] : memref<256x512xi32, #tpu.memory_space<vmem>>, vector<256x512xi32>
        tpu.vector_store %arg8[%swap3A_443, %swap3A_444], %select_n3A_442 {strides = array<i32>} : memref<256x512xi32, #tpu.memory_space<vmem>>, vector<256x512xi32>,
        scf.yield %select_n3A_435, %select_n3A_438 : vector<256x32xi32>, vector<256x32xi32>
      }
      %gt3A = arith.constant 0 : i32
      %gt3A_308 = arith.cmpi sgt, %reduce_max3A_274, %gt3A : i32
      %convert_element_type3A_309 = arith.extui %gt3A_308 : i1 to i32
      %cond3A = arith.constant 0 : i32
      %cond3A_310 = arith.cmpi ne, %convert_element_type3A_309, %cond3A : i32
      %cond3A_311:2 = scf.if %cond3A_310 -> (vector<256x32xi32>, vector<256x32xi32>) {
        %get3A_312 = arith.constant 0 : index
        %get3A_313 = arith.constant 0 : index
        %get3A_314 = vector.load %arg7[%get3A_312, %get3A_313] : memref<256x512xf32, #tpu.memory_space<vmem>>, vector<256x512xf32>
        %bitcast_convert_type3A_315 = tpu.bitcast %get3A_314 : vector<256x512xf32> -> vector<256x512xi32>
        %and3A_316 = arith.constant 7 : i32
        %and3A_317 = vector.broadcast %and3A_316 : i32 to vector<256x512xi32>
        %and3A_318 = arith.andi %bitcast_convert_type3A_315, %and3A_317 : vector<256x512xi32>
        %slice3A_319 = vector.extract_strided_slice %and3A_318 {offsets = [0, 0], sizes = [256, 256], strides = [1, 1]} : vector<256x512xi32> to vector<256x256xi32>
        %slice3A_320 = vector.extract_strided_slice %and3A_318 {offsets = [0, 256], sizes = [256, 256], strides = [1, 1]} : vector<256x512xi32> to vector<256x256xi32>
        %concatenate3A_321 = tpu.concatenate %slice3A_319, %slice3A_319, %slice3A_319, %slice3A_319, %slice3A_319, %slice3A_319, %slice3A_319, %slice3A_319, %slice3A_320, %slice3A_320, %slice3A_320, %slice3A_320, %slice3A_320, %slice3A_320, %slice3A_320, %slice3A_320 in 1 : vector<256x256xi32>, vector<256x256xi32>, vector<256x256xi32>, vector<256x256xi32>, vector<256x256xi32>, vector<256x256xi32>, vector<256x256xi32>, vector<256x256xi32>, vector<256x256xi32>, vector<256x256xi32>, vector<256x256xi32>, vector<256x256xi32>, vector<256x256xi32>, vector<256x256xi32>, vector<256x256xi32>, vector<256x256xi32> -> vector<256x4096xi32>
        %and3A_322 = arith.constant 2047 : i32
        %and3A_323 = vector.broadcast %and3A_322 : i32 to vector<256x4096xi32>
        %and3A_324 = arith.andi %iota3A_28, %and3A_323 : vector<256x4096xi32>
        %shift_right_arithmetic3A_325 = arith.constant 8 : i32
        %shift_right_arithmetic3A_326 = vector.broadcast %shift_right_arithmetic3A_325 : i32 to vector<256x4096xi32>
        %shift_right_arithmetic3A_327 = arith.shrsi %and3A_324, %shift_right_arithmetic3A_326 : vector<256x4096xi32>
        %ne3A_328 = arith.cmpi ne, %shift_right_arithmetic3A_327, %concatenate3A_321 : vector<256x4096xi32>
        %get3A_329 = arith.constant 0 : index
        %get3A_330 = arith.constant 0 : index
        %get3A_331 = vector.load %arg6[%get3A_329, %get3A_330] : memref<256x4096xf32, #tpu.memory_space<vmem>>, vector<256x4096xf32>
        %bitcast_convert_type3A_332 = tpu.bitcast %get3A_331 : vector<256x4096xf32> -> vector<256x4096xi32>
        %shift_right_arithmetic3A_333 = arith.constant 31 : i32
        %shift_right_arithmetic3A_334 = vector.broadcast %shift_right_arithmetic3A_333 : i32 to vector<256x4096xi32>
        %shift_right_arithmetic3A_335 = arith.shrsi %bitcast_convert_type3A_332, %shift_right_arithmetic3A_334 : vector<256x4096xi32>
        %and3A_336 = arith.constant 2147483647 : i32
        %and3A_337 = vector.broadcast %and3A_336 : i32 to vector<256x4096xi32>
        %and3A_338 = arith.andi %shift_right_arithmetic3A_335, %and3A_337 : vector<256x4096xi32>
        %xor3A_339 = arith.xori %bitcast_convert_type3A_332, %and3A_338 : vector<256x4096xi32>
        %broadcast_in_dim3A_340 = vector.broadcast %scan3A_33 : i32 to vector<256x4096xi32>
        %select_n3A_341 = arith.select %ne3A_328, %xor3A_339, %broadcast_in_dim3A_340 : vector<256x4096xi1>, vector<256x4096xi32>
        %bitcast_convert_type3A_342 = tpu.bitcast %select_n3A_341 : vector<256x4096xi32> -> vector<256x4096xf32>
        %swap3A_343 = arith.constant 0 : index
        %swap3A_344 = arith.constant 0 : index
        %swap3A_345 = vector.load %arg6[%swap3A_343, %swap3A_344] : memref<256x4096xf32, #tpu.memory_space<vmem>>, vector<256x4096xf32>
        tpu.vector_store %arg6[%swap3A_343, %swap3A_344], %bitcast_convert_type3A_342 {strides = array<i32>} : memref<256x4096xf32, #tpu.memory_space<vmem>>, vector<256x4096xf32>,
        %add3A_346 = arith.constant 1 : i32
        %add3A_347 = arith.addi %reduce_max3A_274, %add3A_346 : i32
        %jit3A_348 = arith.constant 2 : i32
        %div3A_349 = arith.divsi %add3A_347, %jit3A_348 : i32
        %sign3A_350 = arith.constant 0 : i32
        %sign3A_351 = arith.cmpi sgt, %add3A_347, %sign3A_350 : i32
        %sign3A_352 = arith.extui %sign3A_351 : i1 to i32
        %sign3A_353 = arith.constant 0 : i32
        %sign3A_354 = arith.cmpi slt, %add3A_347, %sign3A_353 : i32
        %sign3A_355 = arith.extui %sign3A_354 : i1 to i32
        %sign3A_356 = arith.subi %sign3A_352, %sign3A_355 : i32
        %sign3A_357 = arith.constant 0 : i32
        %sign3A_358 = arith.cmpi sgt, %jit3A_348, %sign3A_357 : i32
        %sign3A_359 = arith.extui %sign3A_358 : i1 to i32
        %sign3A_360 = arith.constant 0 : i32
        %sign3A_361 = arith.cmpi slt, %jit3A_348, %sign3A_360 : i32
        %sign3A_362 = arith.extui %sign3A_361 : i1 to i32
        %sign3A_363 = arith.subi %sign3A_359, %sign3A_362 : i32
        %ne3A_364 = arith.cmpi ne, %sign3A_356, %sign3A_363 : i32
        %rem3A_365 = arith.remsi %add3A_347, %jit3A_348 : i32
        %ne3A_366 = arith.constant 0 : i32
        %ne3A_367 = arith.cmpi ne, %rem3A_365, %ne3A_366 : i32
        %and3A_368 = arith.andi %ne3A_364, %ne3A_367 : i1
        %sub3A_369 = arith.constant 1 : i32
        %sub3A_370 = arith.subi %div3A_349, %sub3A_369 : i32
        %select_n3A_371 = arith.select %and3A_368, %sub3A_370, %div3A_349 : i32
        %while3A_372 = arith.constant 0 : i32
        %while3A_373 = arith.subi %select_n3A_371, %while3A_372 : i32
        %while3A_374 = arith.addi %while3A_372, %while3A_373 : i32
        %while3A_375 = arith.constant 1 : i32
        %while3A_376 = arith.divsi %while3A_373, %while3A_375 : i32
        %while3A_377 = arith.muli %while3A_376, %while3A_375 : i32
        %while3A_378 = arith.addi %while3A_372, %while3A_377 : i32
        %while3A_379 = arith.constant 1 : i32
        %while3A_380:2 = scf.for %while3A_383 = %while3A_372 to %while3A_378 step %while3A_379 iter_args(%while3A_384 = %while3A_307#0, %while3A_385 = %while3A_307#1) -> (vector<256x32xi32>, vector<256x32xi32>)  : i32 {
          %get3A_386 = arith.constant 0 : index
          %get3A_387 = arith.constant 0 : index
          %get3A_388 = vector.load %arg6[%get3A_386, %get3A_387] : memref<256x4096xf32, #tpu.memory_space<vmem>>, vector<256x4096xf32>
          %bitcast_convert_type3A_389 = tpu.bitcast %get3A_388 : vector<256x4096xf32> -> vector<256x4096xi32>
          %reduce_min3A = arith.constant dense<2147483647> : vector<256xi32>
          %reduce_min3A_390 = vector.multi_reduction <minsi>, %bitcast_convert_type3A_389, %reduce_min3A [1] : vector<256x4096xi32> to vector<256xi32>
          %broadcast_in_dim3A_391 = vector.shape_cast %reduce_min3A_390 : vector<256xi32> to vector<256x1xi32>
          %eq3A = vector.broadcast %broadcast_in_dim3A_391 : vector<256x1xi32> to vector<256x4096xi32>
          %eq3A_392 = arith.cmpi eq, %bitcast_convert_type3A_389, %eq3A : vector<256x4096xi32>
          %jit3A_393 = arith.constant 4096 : i32
          %broadcast_in_dim3A_394 = vector.broadcast %jit3A_393 : i32 to vector<256x4096xi32>
          %select_n3A_395 = arith.select %eq3A_392, %iota3A_28, %broadcast_in_dim3A_394 : vector<256x4096xi1>, vector<256x4096xi32>
          %reduce_min3A_396 = arith.constant dense<2147483647> : vector<256xi32>
          %reduce_min3A_397 = vector.multi_reduction <minsi>, %select_n3A_395, %reduce_min3A_396 [1] : vector<256x4096xi32> to vector<256xi32>
          %broadcast_in_dim3A_398 = vector.shape_cast %reduce_min3A_397 : vector<256xi32> to vector<256x1xi32>
          %reduce_max3A_399 = arith.constant dense<-2147483648> : vector<256xi32>
          %reduce_max3A_400 = vector.multi_reduction <maxsi>, %while3A_384, %reduce_max3A_399 [1] : vector<256x32xi32> to vector<256xi32>
          %broadcast_in_dim3A_401 = vector.shape_cast %reduce_max3A_400 : vector<256xi32> to vector<256x1xi32>
          %lt3A_402 = arith.cmpi slt, %broadcast_in_dim3A_391, %broadcast_in_dim3A_401 : vector<256x1xi32>
          %eq3A_403 = vector.broadcast %broadcast_in_dim3A_401 : vector<256x1xi32> to vector<256x32xi32>
          %eq3A_404 = arith.cmpi eq, %while3A_384, %eq3A_403 : vector<256x32xi32>
          %jit3A_405 = arith.constant 32 : i32
          %broadcast_in_dim3A_406 = vector.broadcast %jit3A_405 : i32 to vector<256x32xi32>
          %select_n3A_407 = arith.select %eq3A_404, %iota3A_3, %broadcast_in_dim3A_406 : vector<256x32xi1>, vector<256x32xi32>
          %reduce_min3A_408 = arith.constant dense<2147483647> : vector<256xi32>
          %reduce_min3A_409 = vector.multi_reduction <minsi>, %select_n3A_407, %reduce_min3A_408 [1] : vector<256x32xi32> to vector<256xi32>
          %broadcast_in_dim3A_410 = vector.shape_cast %reduce_min3A_409 : vector<256xi32> to vector<256x1xi32>
          %eq3A_411 = vector.broadcast %broadcast_in_dim3A_410 : vector<256x1xi32> to vector<256x32xi32>
          %eq3A_412 = arith.cmpi eq, %iota3A_3, %eq3A_411 : vector<256x32xi32>
          %and3A_413 = vector.broadcast %lt3A_402 : vector<256x1xi1> to vector<256x32xi1>
          %and3A_414 = arith.andi %eq3A_412, %and3A_413 : vector<256x32xi1>
          %broadcast_in_dim3A_415 = vector.shape_cast %broadcast_in_dim3A_391 : vector<256x1xi32> to vector<256x1xi32>
          %broadcast_in_dim3A_416 = vector.broadcast %broadcast_in_dim3A_415 : vector<256x1xi32> to vector<256x32xi32>
          %select_n3A_417 = arith.select %and3A_414, %broadcast_in_dim3A_416, %while3A_384 : vector<256x32xi1>, vector<256x32xi32>
          %mul3A_418 = arith.constant 2 : i32
          %mul3A_419 = arith.muli %mul3A_418, %scan3A_71 : i32
          %mul3A_420 = arith.constant 2048 : i32
          %mul3A_421 = arith.muli %mul3A_419, %mul3A_420 : i32
          %add3A_422 = vector.broadcast %mul3A_421 : i32 to vector<256x1xi32>
          %add3A_423 = arith.addi %add3A_422, %broadcast_in_dim3A_398 : vector<256x1xi32>
          %broadcast_in_dim3A_424 = vector.shape_cast %add3A_423 : vector<256x1xi32> to vector<256x1xi32>
          %broadcast_in_dim3A_425 = vector.broadcast %broadcast_in_dim3A_424 : vector<256x1xi32> to vector<256x32xi32>
          %select_n3A_426 = arith.select %and3A_414, %broadcast_in_dim3A_425, %while3A_385 : vector<256x32xi1>, vector<256x32xi32>
          %eq3A_427 = vector.broadcast %broadcast_in_dim3A_398 : vector<256x1xi32> to vector<256x4096xi32>
          %eq3A_428 = arith.cmpi eq, %iota3A_28, %eq3A_427 : vector<256x4096xi32>
          %broadcast_in_dim3A_429 = vector.broadcast %scan3A_33 : i32 to vector<256x4096xi32>
          %select_n3A_430 = arith.select %eq3A_428, %broadcast_in_dim3A_429, %bitcast_convert_type3A_389 : vector<256x4096xi1>, vector<256x4096xi32>
          %bitcast_convert_type3A_431 = tpu.bitcast %select_n3A_430 : vector<256x4096xi32> -> vector<256x4096xf32>
          %swap3A_432 = arith.constant 0 : index
          %swap3A_433 = arith.constant 0 : index
          %swap3A_434 = vector.load %arg6[%swap3A_432, %swap3A_433] : memref<256x4096xf32, #tpu.memory_space<vmem>>, vector<256x4096xf32>
          tpu.vector_store %arg6[%swap3A_432, %swap3A_433], %bitcast_convert_type3A_431 {strides = array<i32>} : memref<256x4096xf32, #tpu.memory_space<vmem>>, vector<256x4096xf32>,
          %get3A_435 = arith.constant 0 : index
          %get3A_436 = arith.constant 0 : index
          %get3A_437 = vector.load %arg6[%get3A_435, %get3A_436] : memref<256x4096xf32, #tpu.memory_space<vmem>>, vector<256x4096xf32>
          %bitcast_convert_type3A_438 = tpu.bitcast %get3A_437 : vector<256x4096xf32> -> vector<256x4096xi32>
          %reduce_min3A_439 = arith.constant dense<2147483647> : vector<256xi32>
          %reduce_min3A_440 = vector.multi_reduction <minsi>, %bitcast_convert_type3A_438, %reduce_min3A_439 [1] : vector<256x4096xi32> to vector<256xi32>
          %broadcast_in_dim3A_441 = vector.shape_cast %reduce_min3A_440 : vector<256xi32> to vector<256x1xi32>
          %eq3A_442 = vector.broadcast %broadcast_in_dim3A_441 : vector<256x1xi32> to vector<256x4096xi32>
          %eq3A_443 = arith.cmpi eq, %bitcast_convert_type3A_438, %eq3A_442 : vector<256x4096xi32>
          %jit3A_444 = arith.constant 4096 : i32
          %broadcast_in_dim3A_445 = vector.broadcast %jit3A_444 : i32 to vector<256x4096xi32>
          %select_n3A_446 = arith.select %eq3A_443, %iota3A_28, %broadcast_in_dim3A_445 : vector<256x4096xi1>, vector<256x4096xi32>
          %reduce_min3A_447 = arith.constant dense<2147483647> : vector<256xi32>
          %reduce_min3A_448 = vector.multi_reduction <minsi>, %select_n3A_446, %reduce_min3A_447 [1] : vector<256x4096xi32> to vector<256xi32>
          %broadcast_in_dim3A_449 = vector.shape_cast %reduce_min3A_448 : vector<256xi32> to vector<256x1xi32>
          %reduce_max3A_450 = arith.constant dense<-2147483648> : vector<256xi32>
          %reduce_max3A_451 = vector.multi_reduction <maxsi>, %select_n3A_417, %reduce_max3A_450 [1] : vector<256x32xi32> to vector<256xi32>
          %broadcast_in_dim3A_452 = vector.shape_cast %reduce_max3A_451 : vector<256xi32> to vector<256x1xi32>
          %lt3A_453 = arith.cmpi slt, %broadcast_in_dim3A_441, %broadcast_in_dim3A_452 : vector<256x1xi32>
          %eq3A_454 = vector.broadcast %broadcast_in_dim3A_452 : vector<256x1xi32> to vector<256x32xi32>
          %eq3A_455 = arith.cmpi eq, %select_n3A_417, %eq3A_454 : vector<256x32xi32>
          %jit3A_456 = arith.constant 32 : i32
          %broadcast_in_dim3A_457 = vector.broadcast %jit3A_456 : i32 to vector<256x32xi32>
          %select_n3A_458 = arith.select %eq3A_455, %iota3A_3, %broadcast_in_dim3A_457 : vector<256x32xi1>, vector<256x32xi32>
          %reduce_min3A_459 = arith.constant dense<2147483647> : vector<256xi32>
          %reduce_min3A_460 = vector.multi_reduction <minsi>, %select_n3A_458, %reduce_min3A_459 [1] : vector<256x32xi32> to vector<256xi32>
          %broadcast_in_dim3A_461 = vector.shape_cast %reduce_min3A_460 : vector<256xi32> to vector<256x1xi32>
          %eq3A_462 = vector.broadcast %broadcast_in_dim3A_461 : vector<256x1xi32> to vector<256x32xi32>
          %eq3A_463 = arith.cmpi eq, %iota3A_3, %eq3A_462 : vector<256x32xi32>
          %and3A_464 = vector.broadcast %lt3A_453 : vector<256x1xi1> to vector<256x32xi1>
          %and3A_465 = arith.andi %eq3A_463, %and3A_464 : vector<256x32xi1>
          %broadcast_in_dim3A_466 = vector.shape_cast %broadcast_in_dim3A_441 : vector<256x1xi32> to vector<256x1xi32>
          %broadcast_in_dim3A_467 = vector.broadcast %broadcast_in_dim3A_466 : vector<256x1xi32> to vector<256x32xi32>
          %select_n3A_468 = arith.select %and3A_465, %broadcast_in_dim3A_467, %select_n3A_417 : vector<256x32xi1>, vector<256x32xi32>
          %mul3A_469 = arith.constant 2 : i32
          %mul3A_470 = arith.muli %mul3A_469, %scan3A_71 : i32
          %mul3A_471 = arith.constant 2048 : i32
          %mul3A_472 = arith.muli %mul3A_470, %mul3A_471 : i32
          %add3A_473 = vector.broadcast %mul3A_472 : i32 to vector<256x1xi32>
          %add3A_474 = arith.addi %add3A_473, %broadcast_in_dim3A_449 : vector<256x1xi32>
          %broadcast_in_dim3A_475 = vector.shape_cast %add3A_474 : vector<256x1xi32> to vector<256x1xi32>
          %broadcast_in_dim3A_476 = vector.broadcast %broadcast_in_dim3A_475 : vector<256x1xi32> to vector<256x32xi32>
          %select_n3A_477 = arith.select %and3A_465, %broadcast_in_dim3A_476, %select_n3A_426 : vector<256x32xi1>, vector<256x32xi32>
          %eq3A_478 = vector.broadcast %broadcast_in_dim3A_449 : vector<256x1xi32> to vector<256x4096xi32>
          %eq3A_479 = arith.cmpi eq, %iota3A_28, %eq3A_478 : vector<256x4096xi32>
          %broadcast_in_dim3A_480 = vector.broadcast %scan3A_33 : i32 to vector<256x4096xi32>
          %select_n3A_481 = arith.select %eq3A_479, %broadcast_in_dim3A_480, %bitcast_convert_type3A_438 : vector<256x4096xi1>, vector<256x4096xi32>
          %bitcast_convert_type3A_482 = tpu.bitcast %select_n3A_481 : vector<256x4096xi32> -> vector<256x4096xf32>
          %swap3A_483 = arith.constant 0 : index
          %swap3A_484 = arith.constant 0 : index
          %swap3A_485 = vector.load %arg6[%swap3A_483, %swap3A_484] : memref<256x4096xf32, #tpu.memory_space<vmem>>, vector<256x4096xf32>
          tpu.vector_store %arg6[%swap3A_483, %swap3A_484], %bitcast_convert_type3A_482 {strides = array<i32>} : memref<256x4096xf32, #tpu.memory_space<vmem>>, vector<256x4096xf32>,
          scf.yield %select_n3A_468, %select_n3A_477 : vector<256x32xi32>, vector<256x32xi32>
        }
        %while3A_381 = arith.constant 1 : i32
        %while3A_382:2 = scf.for %while3A_383 = %while3A_378 to %while3A_374 step %while3A_381 iter_args(%while3A_384 = %while3A_380#0, %while3A_385 = %while3A_380#1) -> (vector<256x32xi32>, vector<256x32xi32>)  : i32 {
          %get3A_386 = arith.constant 0 : index
          %get3A_387 = arith.constant 0 : index
          %get3A_388 = vector.load %arg6[%get3A_386, %get3A_387] : memref<256x4096xf32, #tpu.memory_space<vmem>>, vector<256x4096xf32>
          %bitcast_convert_type3A_389 = tpu.bitcast %get3A_388 : vector<256x4096xf32> -> vector<256x4096xi32>
          %reduce_min3A = arith.constant dense<2147483647> : vector<256xi32>
          %reduce_min3A_390 = vector.multi_reduction <minsi>, %bitcast_convert_type3A_389, %reduce_min3A [1] : vector<256x4096xi32> to vector<256xi32>
          %broadcast_in_dim3A_391 = vector.shape_cast %reduce_min3A_390 : vector<256xi32> to vector<256x1xi32>
          %eq3A = vector.broadcast %broadcast_in_dim3A_391 : vector<256x1xi32> to vector<256x4096xi32>
          %eq3A_392 = arith.cmpi eq, %bitcast_convert_type3A_389, %eq3A : vector<256x4096xi32>
          %jit3A_393 = arith.constant 4096 : i32
          %broadcast_in_dim3A_394 = vector.broadcast %jit3A_393 : i32 to vector<256x4096xi32>
          %select_n3A_395 = arith.select %eq3A_392, %iota3A_28, %broadcast_in_dim3A_394 : vector<256x4096xi1>, vector<256x4096xi32>
          %reduce_min3A_396 = arith.constant dense<2147483647> : vector<256xi32>
          %reduce_min3A_397 = vector.multi_reduction <minsi>, %select_n3A_395, %reduce_min3A_396 [1] : vector<256x4096xi32> to vector<256xi32>
          %broadcast_in_dim3A_398 = vector.shape_cast %reduce_min3A_397 : vector<256xi32> to vector<256x1xi32>
          %reduce_max3A_399 = arith.constant dense<-2147483648> : vector<256xi32>
          %reduce_max3A_400 = vector.multi_reduction <maxsi>, %while3A_384, %reduce_max3A_399 [1] : vector<256x32xi32> to vector<256xi32>
          %broadcast_in_dim3A_401 = vector.shape_cast %reduce_max3A_400 : vector<256xi32> to vector<256x1xi32>
          %lt3A_402 = arith.cmpi slt, %broadcast_in_dim3A_391, %broadcast_in_dim3A_401 : vector<256x1xi32>
          %eq3A_403 = vector.broadcast %broadcast_in_dim3A_401 : vector<256x1xi32> to vector<256x32xi32>
          %eq3A_404 = arith.cmpi eq, %while3A_384, %eq3A_403 : vector<256x32xi32>
          %jit3A_405 = arith.constant 32 : i32
          %broadcast_in_dim3A_406 = vector.broadcast %jit3A_405 : i32 to vector<256x32xi32>
          %select_n3A_407 = arith.select %eq3A_404, %iota3A_3, %broadcast_in_dim3A_406 : vector<256x32xi1>, vector<256x32xi32>
          %reduce_min3A_408 = arith.constant dense<2147483647> : vector<256xi32>
          %reduce_min3A_409 = vector.multi_reduction <minsi>, %select_n3A_407, %reduce_min3A_408 [1] : vector<256x32xi32> to vector<256xi32>
          %broadcast_in_dim3A_410 = vector.shape_cast %reduce_min3A_409 : vector<256xi32> to vector<256x1xi32>
          %eq3A_411 = vector.broadcast %broadcast_in_dim3A_410 : vector<256x1xi32> to vector<256x32xi32>
          %eq3A_412 = arith.cmpi eq, %iota3A_3, %eq3A_411 : vector<256x32xi32>
          %and3A_413 = vector.broadcast %lt3A_402 : vector<256x1xi1> to vector<256x32xi1>
          %and3A_414 = arith.andi %eq3A_412, %and3A_413 : vector<256x32xi1>
          %broadcast_in_dim3A_415 = vector.shape_cast %broadcast_in_dim3A_391 : vector<256x1xi32> to vector<256x1xi32>
          %broadcast_in_dim3A_416 = vector.broadcast %broadcast_in_dim3A_415 : vector<256x1xi32> to vector<256x32xi32>
          %select_n3A_417 = arith.select %and3A_414, %broadcast_in_dim3A_416, %while3A_384 : vector<256x32xi1>, vector<256x32xi32>
          %mul3A_418 = arith.constant 2 : i32
          %mul3A_419 = arith.muli %mul3A_418, %scan3A_71 : i32
          %mul3A_420 = arith.constant 2048 : i32
          %mul3A_421 = arith.muli %mul3A_419, %mul3A_420 : i32
          %add3A_422 = vector.broadcast %mul3A_421 : i32 to vector<256x1xi32>
          %add3A_423 = arith.addi %add3A_422, %broadcast_in_dim3A_398 : vector<256x1xi32>
          %broadcast_in_dim3A_424 = vector.shape_cast %add3A_423 : vector<256x1xi32> to vector<256x1xi32>
          %broadcast_in_dim3A_425 = vector.broadcast %broadcast_in_dim3A_424 : vector<256x1xi32> to vector<256x32xi32>
          %select_n3A_426 = arith.select %and3A_414, %broadcast_in_dim3A_425, %while3A_385 : vector<256x32xi1>, vector<256x32xi32>
          %eq3A_427 = vector.broadcast %broadcast_in_dim3A_398 : vector<256x1xi32> to vector<256x4096xi32>
          %eq3A_428 = arith.cmpi eq, %iota3A_28, %eq3A_427 : vector<256x4096xi32>
          %broadcast_in_dim3A_429 = vector.broadcast %scan3A_33 : i32 to vector<256x4096xi32>
          %select_n3A_430 = arith.select %eq3A_428, %broadcast_in_dim3A_429, %bitcast_convert_type3A_389 : vector<256x4096xi1>, vector<256x4096xi32>
          %bitcast_convert_type3A_431 = tpu.bitcast %select_n3A_430 : vector<256x4096xi32> -> vector<256x4096xf32>
          %swap3A_432 = arith.constant 0 : index
          %swap3A_433 = arith.constant 0 : index
          %swap3A_434 = vector.load %arg6[%swap3A_432, %swap3A_433] : memref<256x4096xf32, #tpu.memory_space<vmem>>, vector<256x4096xf32>
          tpu.vector_store %arg6[%swap3A_432, %swap3A_433], %bitcast_convert_type3A_431 {strides = array<i32>} : memref<256x4096xf32, #tpu.memory_space<vmem>>, vector<256x4096xf32>,
          %get3A_435 = arith.constant 0 : index
          %get3A_436 = arith.constant 0 : index
          %get3A_437 = vector.load %arg6[%get3A_435, %get3A_436] : memref<256x4096xf32, #tpu.memory_space<vmem>>, vector<256x4096xf32>
          %bitcast_convert_type3A_438 = tpu.bitcast %get3A_437 : vector<256x4096xf32> -> vector<256x4096xi32>
          %reduce_min3A_439 = arith.constant dense<2147483647> : vector<256xi32>
          %reduce_min3A_440 = vector.multi_reduction <minsi>, %bitcast_convert_type3A_438, %reduce_min3A_439 [1] : vector<256x4096xi32> to vector<256xi32>
          %broadcast_in_dim3A_441 = vector.shape_cast %reduce_min3A_440 : vector<256xi32> to vector<256x1xi32>
          %eq3A_442 = vector.broadcast %broadcast_in_dim3A_441 : vector<256x1xi32> to vector<256x4096xi32>
          %eq3A_443 = arith.cmpi eq, %bitcast_convert_type3A_438, %eq3A_442 : vector<256x4096xi32>
          %jit3A_444 = arith.constant 4096 : i32
          %broadcast_in_dim3A_445 = vector.broadcast %jit3A_444 : i32 to vector<256x4096xi32>
          %select_n3A_446 = arith.select %eq3A_443, %iota3A_28, %broadcast_in_dim3A_445 : vector<256x4096xi1>, vector<256x4096xi32>
          %reduce_min3A_447 = arith.constant dense<2147483647> : vector<256xi32>
          %reduce_min3A_448 = vector.multi_reduction <minsi>, %select_n3A_446, %reduce_min3A_447 [1] : vector<256x4096xi32> to vector<256xi32>
          %broadcast_in_dim3A_449 = vector.shape_cast %reduce_min3A_448 : vector<256xi32> to vector<256x1xi32>
          %reduce_max3A_450 = arith.constant dense<-2147483648> : vector<256xi32>
          %reduce_max3A_451 = vector.multi_reduction <maxsi>, %select_n3A_417, %reduce_max3A_450 [1] : vector<256x32xi32> to vector<256xi32>
          %broadcast_in_dim3A_452 = vector.shape_cast %reduce_max3A_451 : vector<256xi32> to vector<256x1xi32>
          %lt3A_453 = arith.cmpi slt, %broadcast_in_dim3A_441, %broadcast_in_dim3A_452 : vector<256x1xi32>
          %eq3A_454 = vector.broadcast %broadcast_in_dim3A_452 : vector<256x1xi32> to vector<256x32xi32>
          %eq3A_455 = arith.cmpi eq, %select_n3A_417, %eq3A_454 : vector<256x32xi32>
          %jit3A_456 = arith.constant 32 : i32
          %broadcast_in_dim3A_457 = vector.broadcast %jit3A_456 : i32 to vector<256x32xi32>
          %select_n3A_458 = arith.select %eq3A_455, %iota3A_3, %broadcast_in_dim3A_457 : vector<256x32xi1>, vector<256x32xi32>
          %reduce_min3A_459 = arith.constant dense<2147483647> : vector<256xi32>
          %reduce_min3A_460 = vector.multi_reduction <minsi>, %select_n3A_458, %reduce_min3A_459 [1] : vector<256x32xi32> to vector<256xi32>
          %broadcast_in_dim3A_461 = vector.shape_cast %reduce_min3A_460 : vector<256xi32> to vector<256x1xi32>
          %eq3A_462 = vector.broadcast %broadcast_in_dim3A_461 : vector<256x1xi32> to vector<256x32xi32>
          %eq3A_463 = arith.cmpi eq, %iota3A_3, %eq3A_462 : vector<256x32xi32>
          %and3A_464 = vector.broadcast %lt3A_453 : vector<256x1xi1> to vector<256x32xi1>
          %and3A_465 = arith.andi %eq3A_463, %and3A_464 : vector<256x32xi1>
          %broadcast_in_dim3A_466 = vector.shape_cast %broadcast_in_dim3A_441 : vector<256x1xi32> to vector<256x1xi32>
          %broadcast_in_dim3A_467 = vector.broadcast %broadcast_in_dim3A_466 : vector<256x1xi32> to vector<256x32xi32>
          %select_n3A_468 = arith.select %and3A_465, %broadcast_in_dim3A_467, %select_n3A_417 : vector<256x32xi1>, vector<256x32xi32>
          %mul3A_469 = arith.constant 2 : i32
          %mul3A_470 = arith.muli %mul3A_469, %scan3A_71 : i32
          %mul3A_471 = arith.constant 2048 : i32
          %mul3A_472 = arith.muli %mul3A_470, %mul3A_471 : i32
          %add3A_473 = vector.broadcast %mul3A_472 : i32 to vector<256x1xi32>
          %add3A_474 = arith.addi %add3A_473, %broadcast_in_dim3A_449 : vector<256x1xi32>
          %broadcast_in_dim3A_475 = vector.shape_cast %add3A_474 : vector<256x1xi32> to vector<256x1xi32>
          %broadcast_in_dim3A_476 = vector.broadcast %broadcast_in_dim3A_475 : vector<256x1xi32> to vector<256x32xi32>
          %select_n3A_477 = arith.select %and3A_465, %broadcast_in_dim3A_476, %select_n3A_426 : vector<256x32xi1>, vector<256x32xi32>
          %eq3A_478 = vector.broadcast %broadcast_in_dim3A_449 : vector<256x1xi32> to vector<256x4096xi32>
          %eq3A_479 = arith.cmpi eq, %iota3A_28, %eq3A_478 : vector<256x4096xi32>
          %broadcast_in_dim3A_480 = vector.broadcast %scan3A_33 : i32 to vector<256x4096xi32>
          %select_n3A_481 = arith.select %eq3A_479, %broadcast_in_dim3A_480, %bitcast_convert_type3A_438 : vector<256x4096xi1>, vector<256x4096xi32>
          %bitcast_convert_type3A_482 = tpu.bitcast %select_n3A_481 : vector<256x4096xi32> -> vector<256x4096xf32>
          %swap3A_483 = arith.constant 0 : index
          %swap3A_484 = arith.constant 0 : index
          %swap3A_485 = vector.load %arg6[%swap3A_483, %swap3A_484] : memref<256x4096xf32, #tpu.memory_space<vmem>>, vector<256x4096xf32>
          tpu.vector_store %arg6[%swap3A_483, %swap3A_484], %bitcast_convert_type3A_482 {strides = array<i32>} : memref<256x4096xf32, #tpu.memory_space<vmem>>, vector<256x4096xf32>,
          scf.yield %select_n3A_468, %select_n3A_477 : vector<256x32xi32>, vector<256x32xi32>
        }
        scf.yield %while3A_382#0, %while3A_382#1 : vector<256x32xi32>, vector<256x32xi32>
      } else {
        scf.yield %while3A_307#0, %while3A_307#1 : vector<256x32xi32>, vector<256x32xi32>
      }
      scf.yield %cond3A_311#0, %cond3A_311#1 : vector<256x32xi32>, vector<256x32xi32>
    }
    %scan3A_40 = arith.constant 25 : i32
    %and3A = arith.constant -8 : i32
    %and3A_41 = vector.broadcast %and3A : i32 to vector<256x32xi32>
    %and3A_42 = arith.andi %scan3A_39#0, %and3A_41 : vector<256x32xi32>
    %shift_right_arithmetic3A = arith.constant 31 : i32
    %shift_right_arithmetic3A_43 = vector.broadcast %shift_right_arithmetic3A : i32 to vector<256x32xi32>
    %shift_right_arithmetic3A_44 = arith.shrsi %and3A_42, %shift_right_arithmetic3A_43 : vector<256x32xi32>
    %and3A_45 = arith.constant 2147483647 : i32
    %and3A_46 = vector.broadcast %and3A_45 : i32 to vector<256x32xi32>
    %and3A_47 = arith.andi %shift_right_arithmetic3A_44, %and3A_46 : vector<256x32xi32>
    %xor3A = arith.xori %and3A_42, %and3A_47 : vector<256x32xi32>
    %bitcast_convert_type3A = tpu.bitcast %xor3A : vector<256x32xi32> -> vector<256x32xf32>
    %add3A = vector.broadcast %broadcast_in_dim3A : vector<256x1xf32> to vector<256x32xf32>
    %add3A_48 = arith.addf %bitcast_convert_type3A, %add3A : vector<256x32xf32>
    %max3A = arith.constant 9.99999996E-13 : f32
    %max3A_49 = vector.broadcast %max3A : f32 to vector<256x32xf32>
    %max3A_50 = arith.maximumf %add3A_48, %max3A_49 : vector<256x32xf32>
    %sqrt3A = math.sqrt %max3A_50 : vector<256x32xf32>
    %get3A_51 = arith.constant 0 : index
    %get3A_52 = arith.constant 0 : index
    %get3A_53 = memref.load %arg3[%get3A_51, %get3A_52] : memref<1x1xf32, #tpu.memory_space<smem>>
    %neg3A = arith.constant 0.000000e+00 : f32
    %neg3A_54 = vector.broadcast %neg3A : f32 to vector<256x32xf32>
    %neg3A_55 = arith.subf %neg3A_54, %sqrt3A : vector<256x32xf32>
    %div3A = vector.broadcast %get3A_53 : f32 to vector<256x32xf32>
    %div3A_56 = arith.divf %neg3A_55, %div3A : vector<256x32xf32>
    %reduce_max3A = arith.constant dense<0xFF800000> : vector<256xf32>
    %reduce_max3A_57 = vector.multi_reduction <maximumf>, %div3A_56, %reduce_max3A [1] : vector<256x32xf32> to vector<256xf32>
    %broadcast_in_dim3A_58 = vector.shape_cast %reduce_max3A_57 : vector<256xf32> to vector<256x1xf32>
    %sub3A = vector.broadcast %broadcast_in_dim3A_58 : vector<256x1xf32> to vector<256x32xf32>
    %sub3A_59 = arith.subf %div3A_56, %sub3A : vector<256x32xf32>
    %exp3A = math.exp %sub3A_59 : vector<256x32xf32>
    %reduce_sum3A_60 = arith.constant dense<0.000000e+00> : vector<256xf32>
    %reduce_sum3A_61 = vector.multi_reduction <add>, %exp3A, %reduce_sum3A_60 [1] : vector<256x32xf32> to vector<256xf32>
    %broadcast_in_dim3A_62 = vector.shape_cast %reduce_sum3A_61 : vector<256xf32> to vector<256x1xf32>
    %div3A_63 = vector.broadcast %broadcast_in_dim3A_62 : vector<256x1xf32> to vector<256x32xf32>
    %div3A_64 = arith.divf %exp3A, %div3A_63 : vector<256x32xf32>
    %swap3A_65 = arith.constant 0 : index
    %swap3A_66 = arith.constant 0 : index
    %swap3A_67 = vector.load %arg4[%swap3A_65, %swap3A_66] : memref<256x32xf32, #tpu.memory_space<vmem>>, vector<256x32xf32>
    tpu.vector_store %arg4[%swap3A_65, %swap3A_66], %div3A_64 {strides = array<i32>} : memref<256x32xf32, #tpu.memory_space<vmem>>, vector<256x32xf32>,
    %swap3A_68 = arith.constant 0 : index
    %swap3A_69 = arith.constant 0 : index
    %swap3A_70 = vector.load %arg5[%swap3A_68, %swap3A_69] : memref<256x32xi32, #tpu.memory_space<vmem>>, vector<256x32xi32>
    tpu.vector_store %arg5[%swap3A_68, %swap3A_69], %scan3A_39#1 {strides = array<i32>} : memref<256x32xi32, #tpu.memory_space<vmem>>, vector<256x32xi32>,
    return
  }
  func.func @transform_0(%arg0: i32) -> (i32, i32) {
    %c0_i32 = arith.constant 0 : i32
    %c0_i32_0 = arith.constant 0 : i32
    return %arg0, %c0_i32 : i32, i32
  }
  func.func @transform_1(%arg0: i32) -> (i32, i32, i32) {
    %c0_i32 = arith.constant 0 : i32
    %c0_i32_0 = arith.constant 0 : i32
    %c0_i32_1 = arith.constant 0 : i32
    %c0_i32_2 = arith.constant 0 : i32
    return %c0_i32, %c0_i32_0, %c0_i32_1 : i32, i32, i32
  }
  func.func @transform_2(%arg0: i32) -> (i32, i32) {
    %c0_i32 = arith.constant 0 : i32
    %c0_i32_0 = arith.constant 0 : i32
    %c0_i32_1 = arith.constant 0 : i32
    return %c0_i32, %c0_i32_0 : i32, i32
  }
  func.func @transform_3(%arg0: i32) -> (i32, i32) {
    %c0_i32 = arith.constant 0 : i32
    %c0_i32_0 = arith.constant 0 : i32
    return %arg0, %c0_i32 : i32, i32
  }
  func.func @transform_4(%arg0: i32) -> (i32, i32) {
    %c0_i32 = arith.constant 0 : i32
    %c0_i32_0 = arith.constant 0 : i32
    return %arg0, %c0_i32 : i32, i32
  }
}

</mosaic_0001>

<sc_bundles>
// kernel: kernel.4.cloned.1.call-start
scs
__scs_entry_jumppad:
0x0: {  	(pc) =	sbr.rel $0x88, $3  }
0x1: {  	(tag) =	ssettag $0x0;
	lr =	simm.s32 $0x1  }
0x2: {  	[smem:$0x3F9D] =	sst lr;
	_ =	strace $0xD0000000  }
0x3: {  	_ = 	snop  }
0x4: {  	_ = 	snop  }
0x5: {  	_ = 	snop  }
0x6: {  	_ = 	snop  }
0x7: {  	_ = 	snop  }
__scs_overlays_trampoline_lowered:
0x8: {  	[smem:$0x3FAC] =	sst s0  }
0x9: {  	[smem:$0x3FAD] =	sst s1  }
0xa: {  	[smem:$0x3FAE] =	sst s2  }
0xb: {  	[smem:$0x3FAF] =	sst s3  }
0xc: {  	[smem:$0x3FB0] =	sst s4  }
0xd: {  	[smem:$0x3FB1] =	sst s5  }
0xe: {  	[smem:$0x3FB2] =	sst s6  }
0xf: {  	[smem:$0x3FB3] =	sst s7  }
0x10: {  	[smem:$0x3FB4] =	sst s8  }
0x11: {  	[smem:$0x3FB5] =	sst s9;
	s0 =	simm.s32 @!p0 $0x0  }
0x12: {  	s1 =	sld [smem:$0x3F9B];
	s0 =	simm.s32 @p0 $0x1  }
0x13: {  	[smem:$0x3FB6] =	sst s0;
	s0 =	simm.s32 @!p1 $0x0  }
0x14: {  	s2 =	sld [smem:$0x3F9A];
	s0 =	simm.s32 @p1 $0x1  }
0x15: {  	[smem:$0x3FB7] =	sst s0;
	s0 =	simm.s32 @!p2 $0x0  }
0x16: {  	s3 =	sld [smem:$0x3FDB];
	s0 =	simm.s32 @p2 $0x1  }
0x17: {  	s4 =	simm.s32 $0x1BF5;
	[smem:$0x3FB9] =	sst s0  }
0x18: {  	s0 =	sld [smem:$0x3F9C];
	_ =	swait.ge [sflag:s4], $0x0  }
0x19: {  	s7 =	sld [smem:$0x3F9D]  }
0x1a: {  	s8 =	sadd.s32 $0xFFFFE003, lr  }
0x1b: {  	s9 =	sadd.s32 $0xFFFFFEF7, lr;
	s5 =	simm.s32 $0xFFFFFFFF;
	p2 =	slt.u32 s8, $0xFFFFF086  }
0x1c: {  	p1 =	slt.u32 s9, $0xF7A;
	s5 =	simm.s32 @!p2 $0x0  }
0x1d: {  	s5 =	simm.s32 @p1 $0x1;
	p0 =	seq.s32 s7, s2  }
0x1e: {  	s7 =	smul.u32 @!p0 $0xF7A, s2;
	p2 =	seq.s32 @!p0 s5, $0x0  }
0x1f: {  	s9 =	smul.u32 $0xF7A, s1;
	s8 =	simm.s32 @!p0 $0x1BF5;
	p2 =	por !p2, p0  }
0x20: {  	[sflag:s8] =	ssyncset.s32 @!p0 $0xFFFFF086;
	s6 =	sadd.s32 @!p0 s3, s7;
	s7 =	simm.s32 @!p0 $0x108  }
0x21: {  	s3 =	sadd.s32 s3, s9;
	s6 =	sadd.s32 @!p0 $0x88, s6;
	s7 =	simm.s32 @p2 $0x1082  }
0x22: {  	[simem:s7], [sflag:s8] =	dma.local @!p0 [hbm:s6], $0xF7A  }
0x23: {  	s9 =	sor.u32 $0xD0000000, s2;
	s6 =	simm.s32 $0x108;
	_ =	swait.ge @!p0 [sflag:s8], $0x0  }
0x24: {  	s3 =	sadd.s32 $0x88, s3;
	s6 =	simm.s32 @!p1 $0x1082;
	[sflag:s4] =	ssyncset.s32 $0xFFFFF086  }
0x25: {  	[simem:s6], [sflag:s4] =	dma.local [hbm:s3], $0xF7A  }
0x26: {  	[smem:$0x3F9D] =	sst s1;
	(tag) =	ssettag s2;
	_ =	strace s9  }
0x27: {  	s1 =	sld [smem:$0x3FAD]  }
0x28: {  	s2 =	sld [smem:$0x3FAE]  }
0x29: {  	s4 =	sld [smem:$0x3FB0]  }
0x2a: {  	p0 =	seq.s32 s5, $0x0;
	s5 =	sld [smem:$0x3FB1]  }
0x2b: {  	s6 =	sld [smem:$0x3FB2]  }
0x2c: {  	s7 =	sld [smem:$0x3FB3]  }
0x2d: {  	s3 =	simm.s32 $0x108;
	s8 =	sld [smem:$0x3FB4]  }
0x2e: {  	s3 =	simm.s32 @!p0 $0x1082;
	s9 =	sld [smem:$0x3FB5]  }
0x2f: {  	lr =	sadd.s32 s0, s3;
	s0 =	sld [smem:$0x3FAC]  }
0x30: {  	s3 =	sld [smem:$0x3FAF]  }
0x31: {  	[smem:$0x3FB8] =	sst s10  }
0x32: {  	s10 =	sld [smem:$0x3FB6];
	_ =	sdelay $0x3  }
0x33: {  	p0 =	seq.s32 s10, $0x1;
	s10 =	sld [smem:$0x3FB8];
	_ =	sdelay $0x3  }
0x34: {  	[smem:$0x3FB8] =	sst s10  }
0x35: {  	s10 =	sld [smem:$0x3FB7];
	_ =	sdelay $0x3  }
0x36: {  	p1 =	seq.s32 s10, $0x1;
	s10 =	sld [smem:$0x3FB8];
	_ =	sdelay $0x3  }
0x37: {  	[smem:$0x3FB8] =	sst s10  }
0x38: {  	s10 =	sld [smem:$0x3FB9]  }
0x39: {  	_ = 	snop;
	(pc) =	sbr.ind lr, $3  }
0x3a: {  	_ = 	snop  }
0x3b: {  	_ = 	snop  }
0x3c: {  	p2 =	seq.s32 s10, $0x1;
	s10 =	sld [smem:$0x3FB8]  }
0x3d: {  	_ =	shalt  }
0x3e: {  	_ =	shalt  }
0x3f: {  	_ =	shalt  }
0x40: {  	_ =	shalt  }
0x41: {  	_ =	shalt  }
0x42: {  	_ =	shalt  }
0x43: {  	_ =	shalt  }
0x44: {  	_ =	shalt  }
0x45: {  	_ =	shalt  }
0x46: {  	_ =	shalt  }
0x47: {  	_ =	shalt  }
0x48: {  	_ =	shalt  }
0x49: {  	_ =	shalt  }
0x4a: {  	_ =	shalt  }
0x4b: {  	_ =	shalt  }
0x4c: {  	_ =	shalt  }
0x4d: {  	_ =	shalt  }
0x4e: {  	_ =	shalt  }
0x4f: {  	_ =	shalt  }
0x50: {  	_ =	shalt  }
0x51: {  	_ =	shalt  }
0x52: {  	_ =	shalt  }
0x53: {  	_ =	shalt  }
0x54: {  	_ =	shalt  }
0x55: {  	_ =	shalt  }
0x56: {  	_ =	shalt  }
0x57: {  	_ =	shalt  }
0x58: {  	_ =	shalt  }
0x59: {  	_ =	shalt  }
0x5a: {  	_ =	shalt  }
0x5b: {  	_ =	shalt  }
0x5c: {  	_ =	shalt  }
0x5d: {  	_ =	shalt  }
0x5e: {  	_ =	shalt  }
0x5f: {  	_ =	shalt  }
0x60: {  	_ =	shalt  }
0x61: {  	_ =	shalt  }
0x62: {  	_ =	shalt  }
0x63: {  	_ =	shalt  }
0x64: {  	_ =	shalt  }
0x65: {  	_ =	shalt  }
0x66: {  	_ =	shalt  }
0x67: {  	_ =	shalt  }
0x68: {  	_ =	shalt  }
0x69: {  	_ =	shalt  }
0x6a: {  	_ =	shalt  }
0x6b: {  	_ =	shalt  }
0x6c: {  	_ =	shalt  }
0x6d: {  	_ =	shalt  }
0x6e: {  	_ =	shalt  }
0x6f: {  	_ =	shalt  }
0x70: {  	_ =	shalt  }
0x71: {  	_ =	shalt  }
0x72: {  	_ =	shalt  }
0x73: {  	_ =	shalt  }
0x74: {  	_ =	shalt  }
0x75: {  	_ =	shalt  }
0x76: {  	_ =	shalt  }
0x77: {  	_ =	shalt  }
0x78: {  	_ =	shalt  }
0x79: {  	_ =	shalt  }
0x7a: {  	_ =	shalt  }
0x7b: {  	_ =	shalt  }
0x7c: {  	_ =	shalt  }
0x7d: {  	_ =	shalt  }
0x7e: {  	_ =	shalt  }
0x7f: {  	_ =	shalt  }
0x80: {  	_ =	shalt  }
0x81: {  	_ =	shalt  }
0x82: {  	_ =	shalt  }
0x83: {  	_ =	shalt  }
0x84: {  	_ =	shalt  }
0x85: {  	_ =	shalt  }
0x86: {  	_ =	shalt  }
0x87: {  	_ =	shalt  }
.Lfunc_end0:
.L_simem_size_0:
called_computation_lowered:
.L_overlay_start_0:
0x88: {  	s2 =	sld [smem:$0x3FD9]  }
0x89: {  	s3 =	sld [smem:$0x3FFE];
	_ =	sdelay $0x1  }
0x8a: {  	s1 =	srdreg.scid  }
0x8b: {  	s0 =	sand.u32 $0x1, s1  }
0x8c: {  	s17 =	sshll.u32 s0, $0xA;
	s2 =	sadd.s32 s3, s2  }
0x8d: {  	s2 =	sadd.s32 s2, s17  }
0x8e: {  	[smem:$0x3FC4] =	sst s2  }
0x8f: {  	_ = 	snop  }
0x90: {  	s2 =	sld [smem:$0x3FC7]  }
0x91: {  	s18 =	sld [smem:$0x3FD0];
	(tm) =	ssettm $0x1  }
0x92: {  	s4 =	sld [smem:$0x3FFB];
	_ =	sdelay $0x3  }
0x93: {  	_ =	strace s4  }
0x94: {  	s4 =	sld [smem:$0x3FFC];
	_ =	sdelay $0x3  }
0x95: {  	_ =	strace s4  }
0x96: {  	s4 =	sld [smem:$0x3FFD];
	_ =	sdelay $0x3  }
0x97: {  	_ =	strace s4  }
0x98: {  	_ =	strace $0x8FFFFFFF  }
0x99: {  	s19 =	sld [smem:$0x3FDB];
	_ =	sdelay $0x1  }
0x9a: {  	s5 =	simm.s32 $_scs_section_size  }
0x9b: {  	s6 =	simm.s32 $_size__tile_overlayer_lowered;
	s7 =	simm.s32 $_tile_overlayer_lowered  }
0x9c: {  	s22 =	simm.s32 $0x1BFF;
	s21 =	sshll.u32 s7, $0x1;
	s4 =	sadd.s32 s5, s19  }
0x9d: {  	s8 =	simm.s32 $0x0;
	s20 =	sshll.u32 s6, $0x1;
	s6 =	sadd.s32 s21, s4  }
0x9e: {  	[timem:s8], [sflag:s22] =	dma.local [hbm:s6], s20  }
0x9f: {  	_ =	swait.ge [sflag:s22], s20  }
0xa0: {  	s5 =	ssub.s32 $0x0, s20;
	[sflag:s22] =	ssyncset.done $0x0  }
0xa1: {  	[sflag:s22] =	ssyncadd.s32 s5;
	_ =	sdelay $0x1  }
0xa2: {  	s23 =	simm.s32 $0x1B8B  }
0xa3: {  	_ =	swait.ge [sflag:s23], $0x1  }
0xa4: {  	[sflag:s23] =	ssyncset.done $0x0  }
0xa5: {  	s25 =	simm.s32 $0x1B8E;
	s24 =	sld [smem:$0x3FFE];
	[sflag:s23] =	ssyncadd.s32 $0xFFFFFFFF  }
0xa6: {  	s26 =	simm.s32 $execute0_lowered;
	[smem:$0x3FD2] =	sst s25  }
0xa7: {  	s6 =	sshll.u32 s26, $0x1;
	_ =	strace $0x80000046;
	[dreg:$0x1] =	wrdreg $0xFFFFFFFF  }
0xa8: {  	s28 =	simm.s32 $_size_execute0_lowered;
	s4 =	sadd.s32 s4, s6;
	[dreg:$0x0] =	wrdreg $0x0  }
0xa9: {  	s6 =	sshll.u32 s28, $0x1;
	[dreg:$0x2] =	wrdreg s4  }
0xaa: {  	[dreg:$0x3] =	wrdreg s6  }
0xab: {  	[dreg:$0x4] =	wrdreg $0xC0  }
0xac: {  	_ =	task [dreg:s8], $0x5FFFF  }
0xad: {  	[dreg:$0x1] =	wrdreg $0xFFFFFFFF  }
0xae: {  	[dreg:$0x0] =	wrdreg $0x60  }
0xaf: {  	[dreg:$0x2] =	wrdreg s24  }
0xb0: {  	[dreg:$0x3] =	wrdreg s2  }
0xb1: {  	[dreg:$0x4] =	wrdreg s18  }
0xb2: {  	[dreg:$0x5] =	wrdreg $0x9  }
0xb3: {  	_ =	task.clear_ibuf [dreg:s8], $0x6FFFF;
	_ =	strace $0x90000046  }
0xb4: {  	s29 =	simm.s32 $0x9;
	_ =	strace $0x80000048  }
0xb5: {  	_ =	swait.ge [sflag:s29], $0x1  }
0xb6: {  	[sflag:s29] =	ssyncadd.s32 $0xFFFFFFFF  }
0xb7: {  	_ =	strace $0x90000048  }
0xb8: {  	_ =	sfence  }
0xb9: {  	s30 =	sld [smem:$0x0];
	_ =	sdelay $0x2  }
0xba: {  	s31 =	sshll.u32 s1, $0xD;
	s1 =	sshrl.u32 s1, $0x2  }
0xbb: {  	s3 =	sand.u32 $0x4000, s31;
	s1 =	sadd.s32 s1, s30  }
0xbc: {  	s0 =	sor.u32 s3, s0;
	s1 =	sshll.u32 s1, $0x11  }
0xbd: {  	s0 =	sor.u32 s1, s0  }
0xbe: {  	s0 =	sadd.s32 $0x8F2B, s0  }
0xbf: {  	[sflag:s0] =	ssyncadd.remote.s32 $0x1  }
0xc0: {  	_ =	sfence.sel $0xFFFF  }
0xc1: {  	[dreg:$0x0] =	wrdreg $0xFFFFFFFF;
	(pc) =	sbr.abs _section_cstart, $3  }
0xc2: {  	[dreg:$0x1] =	wrdreg $0xFFFFFFFF  }
0xc3: {  	_ =	task.clear_ibuf [dreg:s8], $0x2FFFF;
	_ =	strace $0x9FFFFFFF  }
0xc4: {  	(tm) =	ssettm $0x7FFFFFFF  }
0xc5: {  	_ =	shalt  }
tec
execute0_lowered:
.L_overlay_start_1:
0x0: {  	(tag) =	ssettag $0x1  }
0x1: {  	s6 =	rddreg [dreg:$0x0]  }
0x2: {  	s1 =	rddreg [dreg:$0x1]  }
0x3: {  	s2 =	rddreg [dreg:$0x2]  }
0x4: {  	s0 =	rddreg [dreg:$0x3];
	s3 =	simm.s32 $0x0;
	s4 =	srdreg.scid  }
0x5: {  	s11 =	simm.s32 $0x18B00;
	s12 =	simm.s32 $0x18F00;
	s13 =	simm.s32 $0x0  }
0x6: {  	[smem:$0x7FF] =	sst s3;
	s7 =	sand.u32 $0x1, s4;
	s5 =	sadd.s32 $0xA00, s6  }
0x7: {  	s4 =	stileid.u32;
	s6 =	sadd.s32 $0x4A00, s6;
	s8 =	ssub.s32 $0x2, s7  }
0x8: {  	s10 =	sshll.u32 s4, $0x8;
	s7 =	sshll.u32 s7, $0x7;
	s9 =	sshrl.u32 s8, $0x1  }
0x9: {  	_ =	strace $0x80000047;
	s7 =	sor.u32 s7, s10;
	s8 =	ssub.s32 s8, s9  }
0xa: {  	v0 =	vimm.f32 $0.0e+00;
	s10 =	simm.s32 $0x18700;
	s9 =	simm.s32 $0x1;
	s8 =	smax.u32 s8, $0x1  }
.LBB2_1:
0xb: {  	[tilespmem:s3], [sflag:$0x1] =	stream.linear.gather [hbm4b:s1+s3], $0x18700, $0x38;
	[tilespmem:$0x19B80] =	vst v63  }
0xc: {  	_ =	swait.ge [sflag:s9], $0x18700  }
0xd: {  	[sflag:s9] =	ssyncset.done $0x0  }
0xe: {  	s14 =	simm.s32 $0x0;
	[sflag:s9] =	ssyncadd.s32 $0xFFFE7900  }
.LBB2_2:
0xf: {  	s15 =	sshll.u32 s14, $0x5  }
0x10: {  	s15 =	sadd.s32 s7, s15  }
0x11: {  	s17 =	sshll.u32 s15, $0x2  }
0x12: {  	s16 =	simm.s32 $0x0;
	s18 =	sadd.s32 s6, s17  }
0x13: {  	[tilespmem:s10], [sflag:$0x1] =	stream.linear.gather [hbm4b:s18+s16], $0x400, $0x38;
	[tilespmem:$0x19B80] =	vst v63  }
0x14: {  	_ =	swait.ge [sflag:s9], $0x400  }
0x15: {  	[sflag:s9] =	ssyncset.done $0x0  }
0x16: {  	s17 =	sadd.s32 s5, s17;
	[sflag:s9] =	ssyncadd.s32 $0xFFFFFC00  }
0x17: {  	[tilespmem:s11], [sflag:$0x1] =	stream.linear.gather [hbm4b:s17+s16], $0x400, $0x38;
	[tilespmem:$0x19B80] =	vst v63  }
0x18: {  	_ =	swait.ge [sflag:s9], $0x400  }
0x19: {  	[sflag:s9] =	ssyncset.done $0x0  }
0x1a: {  	s17 =	simm.s32 $0x0;
	[sflag:s9] =	ssyncadd.s32 $0xFFFFFC00  }
.LBB2_3:
0x1b: {  	p0 =	sne.s32 s17, $0x31C0  }
.Ltmp0:
0x1c: {  	_ = 	snop;
	(pc) =	sbr.rel @p0 .LBB2_3-.Ltmp0, $3  }
0x1d: {  	_ =	sdelay $0x1  }
0x1e: {  	s18 =	sshra.s32 s17, $0x2  }
0x1f: {  	s17 =	sadd.s32 $0x40, s17;
	[tilespmem:s18+$0x18F00] =	vst v0  }
0x20: {  	s17 =	simm.s32 $0x18B10;
	s18 =	simm.s32 $0x18710  }
.LBB2_5:
0x21: {  	v1 =	vld [tilespmem:s18+$0xFFFFFFF0];
	_ =	sdelay $0x7  }
0x22: {  	v1 =	vld.idx.msk [tilespmem:v1+s3+$0x0], $0xffff;
	_ =	sdelay $0x4  }
0x23: {  	v2 =	vld [tilespmem:s17+$0xFFFFFFF0];
	v1 =	vadd.s32 s16, v1;
	_ =	sdelay $0x4  }
0x24: {  	[tilespmem:v1+s12+$0x0] =	vst.idx.add.f32.msk $0xffff, v2  }
0x25: {  	v1 =	vld [tilespmem:s18+$0x0];
	_ =	sdelay $0x7  }
0x26: {  	v1 =	vld.idx.msk [tilespmem:v1+s3+$0x0], $0xffff;
	_ =	sdelay $0x4  }
0x27: {  	p0 =	sne.s32 s16, $0xC1C;
	v2 =	vld [tilespmem:s17+$0x0];
	v1 =	vadd.s32 s16, v1  }
.Ltmp1:
0x28: {  	_ = 	snop;
	(pc) =	sbr.rel @p0 .LBB2_5-.Ltmp1, $2  }
0x29: {  	_ =	sdelay $0x2  }
0x2a: {  	s17 =	sadd.s32 $0x20, s17;
	s18 =	sadd.s32 $0x20, s18;
	s16 =	sadd.s32 $0x64, s16;
	[tilespmem:v1+s12+$0x0] =	vst.idx.add.f32.msk $0xffff, v2  }
0x2b: {  	s15 =	smul.u32 $0x64, s15  }
0x2c: {  	s14 =	sadd.s32 $0x1, s14  }
0x2d: {  	p0 =	sne.s32 s14, $0x4;
	s15 =	sshrl.u32 s15, $0x3  }
.Ltmp2:
0x2e: {  	s15 =	sadd.s32 s2, s15;
	(pc) =	sbr.rel @p0 .LBB2_2-.Ltmp2, $4  }
0x2f: {  	[hbm4b:s15+s3] =	stream.linear.scatter [tilespmem:s12], [sflag:$0x1], $0xC80, $0x38;
	[tilespmem:$0x19B80] =	vst v63  }
0x30: {  	_ =	swait.ge [sflag:s9], $0xC80  }
0x31: {  	[sflag:s9] =	ssyncset.done $0x0  }
0x32: {  	[sflag:s9] =	ssyncadd.s32 $0xFFFFF380  }
0x33: {  	s13 =	sadd.s32 $0x1, s13  }
0x34: {  	p0 =	sne.s32 s13, s8  }
.Ltmp3:
0x35: {  	_ = 	snop;
	(pc) =	sbr.rel @p0 .LBB2_1-.Ltmp3, $1  }
0x36: {  	_ =	sdelay $0x3  }
0x37: {  	_ =	sfence.sel $0x180000  }
0x38: {  	[bflag:$0x0] =	sbarrier.arrive $0xFFFF  }
0x39: {  	p0 =	sne.s32 s4, $0x0;
	_ =	strace $0x90000047  }
0x3a: {  	s0 =	sadd.s32 @!p0 $0x100000, s0;
	[bflag:$0x2] =	sbarrier.arrive $0xFFFF  }
0x3b: {  	[sflag:s0] =	ssyncadd.tile.s32 @!p0 $0x1;
	_ =	shalt  }
.Lfunc_end2:
_tile_overlayer_lowered:
.L_overlay_start_2:
0x3c: {  	(tag) =	ssettag $0x2  }
0x3d: {  	s0 =	rddreg [dreg:$0x0];
	s2 =	stileid.u32  }
0x3e: {  	s1 =	rddreg [dreg:$0x1];
	p0 =	sne.s32 s2, $0x0  }
0x3f: {  	s3 =	rddreg [dreg:$0x2];
	[bflag:$0x3] =	sbarrier.arrive $0xFFFF;
	s2 =	simm.s32 @!p0 $0x1C01  }
0x40: {  	[timem:s3], [sflag:s2] =	dma.local @!p0 [hbm:s0], s1  }
0x41: {  	s0 =	simm.s32 @!p0 $0x1  }
0x42: {  	_ =	swait.ge @!p0 [sflag:s0], s1  }
0x43: {  	s1 =	ssub.s32 @!p0 $0x0, s1;
	[sflag:s0] =	ssyncset.done @!p0 $0x0  }
0x44: {  	[sflag:s0] =	ssyncadd.s32 @!p0 s1  }
0x45: {  	[bflag:$0x3] =	sbarrier.arrive $0xFFFF  }
0x46: {  	_ =	shalt  }

</sc_bundles>
